<compile_context>
chip_gen: v7x
topology: tpu7x:2x2x1
jax: 0.10.2.dev20260603
libtpu: 0.0.44.dev20260713+nightly
codegen_flags: <defaults>
</compile_context>

<pallas_src>
import jax
import jax.numpy as jnp
from jax import lax
from jax.experimental import pallas as pl
from jax.experimental.pallas import tpu as pltpu
from jax.experimental.pallas import tpu_sc as plsc

B, S, D = 4096, 50, 100
DP = 128
NC, NS = 2, 16
NW = NC * NS
BPW = B // NW
NB = 8
CHUNKS = BPW // NB
SP = 56
VB = 24576


def _tp_body(in_ref, out_ref):
    t = jnp.transpose(in_ref[...], (1, 0))
    out_ref[...] = jnp.pad(t, ((0, 0), (0, DP - D)))


def _transpose_pad(table_t):
    v = table_t.shape[1]
    grid = pl.cdiv(v, VB)
    return pl.pallas_call(
        _tp_body,
        grid=(grid,),
        in_specs=[pl.BlockSpec((D, VB), lambda i: (0, i))],
        out_specs=pl.BlockSpec((VB, DP), lambda i: (i, 0)),
        out_shape=jax.ShapeDtypeStruct((v, DP), jnp.float32),
        compiler_params=pltpu.CompilerParams(
            dimension_semantics=("parallel",)),
    )(table_t)


def _ix_body(in_ref, out_ref):
    t = jnp.pad(jnp.transpose(in_ref[...], (1, 0)), ((0, 0), (0, 128 - S)))
    rows = lax.broadcasted_iota(jnp.int32, (B, 128), 0)
    cols = lax.broadcasted_iota(jnp.int32, (B, 128), 1)
    junk = (rows * 977 + cols * 131) % 99991
    out_ref[...] = jnp.where(cols < S, t, junk)


def _idx_relayout(idx_t):
    return pl.pallas_call(
        _ix_body,
        out_shape=jax.ShapeDtypeStruct((B, 128), jnp.int32),
    )(idx_t)


def _sc_body(w_idx, wv_idx, gl_idx, emb_t, cbow_t, gl_t, out_hbm,
             idx_v, rows_v, isem, gsem, osem):
    wid = lax.axis_index("s") * NC + lax.axis_index("c")
    wb0 = wid * BPW

    for t, (idx, table) in enumerate(((w_idx, emb_t), (wv_idx, cbow_t),
                                      (gl_idx, gl_t))):
        pltpu.async_copy(idx.at[pl.ds(wb0, BPW), pl.ds(0, SP)],
                         idx_v, isem).wait()

        @pl.loop(0, CHUNKS)
        def _(ci, t=t, table=table):
            buf = lax.rem(ci, 2)
            b0 = wb0 + ci * NB

            @pl.when(ci >= 2)
            def _():
                pltpu.make_async_copy(
                    rows_v.at[buf],
                    out_hbm.at[pl.ds(b0, NB), t],
                    osem.at[buf]).wait()

            @pl.loop(0, NB)
            def _(j):
                pltpu.async_copy(
                    table.at[idx_v.at[ci * NB + j]],
                    rows_v.at[buf, j],
                    gsem)

            @pl.loop(0, NB)
            def _(j):
                pltpu.make_async_copy(
                    table.at[idx_v.at[ci * NB + j]],
                    rows_v.at[buf, j],
                    gsem).wait()

            pltpu.async_copy(
                rows_v.at[buf],
                out_hbm.at[pl.ds(b0, NB), t],
                osem.at[buf])

        for buf in (0, 1):
            pltpu.make_async_copy(
                rows_v.at[buf],
                out_hbm.at[pl.ds(wb0, NB), t],
                osem.at[buf]).wait()


@jax.jit
def _sc_embed(w_idx, wv_idx, gl_idx, emb_t, cbow_t, gl_t):
    mesh = plsc.VectorSubcoreMesh(core_axis_name="c", subcore_axis_name="s")
    run = pl.kernel(
        _sc_body,
        out_type=jax.ShapeDtypeStruct((B, 3, SP, DP), jnp.float32),
        mesh=mesh,
        scratch_types=[
            pltpu.VMEM((BPW, SP), jnp.int32),
            pltpu.VMEM((2, NB, SP, DP), jnp.float32),
            pltpu.SemaphoreType.DMA,
            pltpu.SemaphoreType.DMA,
            pltpu.SemaphoreType.DMA((2,)),
        ],
        compiler_params=pltpu.CompilerParams(use_tc_tiling_on_sc=False),
    )
    return run(w_idx, wv_idx, gl_idx, emb_t, cbow_t, gl_t)


def kernel(words_idx, wv_idx, glove_idx, emb_table, cbow_table, glove_table):
    idxs = [_idx_relayout(jnp.transpose(i.astype(jnp.int32)))
            for i in (words_idx, wv_idx, glove_idx)]
    tables = [_transpose_pad(jnp.transpose(t))
              for t in (emb_table, cbow_table, glove_table)]
    out = _sc_embed(*idxs, *tables)
    return out[:, :, :S, :D]

# --- scband reference (transcript-rebuilt; emitter-appended) ---
"""Pipeline reference for scband-embedding-wv-glove-15771119910949 (READ-ONLY COPY).

The authoritative reference and input builder live on the scoring server;
editing this copy changes nothing except your own understanding.
"""

import jax, jax.numpy as jnp
import numpy as np

WORDS_SIZE = 100000
EXTWORDS_SIZE = 1000000
WORD_DIM = 100
BATCH = 4096
SEQ = 50


def setup_inputs(seed: int = 0):
    key = jax.random.key(seed)
    k1, k2, k3, k4, k5, k6 = jax.random.split(key, 6)
    words_idx = jax.random.randint(k1, (BATCH, SEQ), 0, WORDS_SIZE)
    wv_idx = jax.random.randint(k2, (BATCH, SEQ), 0, EXTWORDS_SIZE)
    glove_idx = jax.random.randint(k3, (BATCH, SEQ), 0, EXTWORDS_SIZE)
    # trainable word embedding (padding_idx=0 -> zero row)
    emb_table = (jax.random.normal(k4, (WORDS_SIZE, WORD_DIM), dtype=jnp.float32) * 0.02).at[0].set(0.0)
    # frozen pretrained CBOW / GloVe tables (padding_idx=0 -> zero row)
    cbow_table = (jax.random.normal(k5, (EXTWORDS_SIZE, WORD_DIM), dtype=jnp.float32) * 0.02).at[0].set(0.0)
    glove_table = (jax.random.normal(k6, (EXTWORDS_SIZE, WORD_DIM), dtype=jnp.float32) * 0.02).at[0].set(0.0)
    return {
        "words_idx": words_idx,
        "wv_idx": wv_idx,
        "glove_idx": glove_idx,
        "emb_table": emb_table,
        "cbow_table": cbow_table,
        "glove_table": glove_table,
    }


def reference(words_idx, wv_idx, glove_idx, emb_table, cbow_table, glove_table):
    words_embedding = jnp.take(emb_table, words_idx, axis=0)      # [B, S, D]
    cbow_embedding = jnp.take(cbow_table, wv_idx, axis=0)         # [B, S, D]
    glove_embedding = jnp.take(glove_table, glove_idx, axis=0)    # [B, S, D]
    embedding = jnp.concatenate(
        (words_embedding[:, None, :, :],
         cbow_embedding[:, None, :, :],
         glove_embedding[:, None, :, :]),
        axis=1,
    )  # [B, 3, S, D]
    return embedding

if __name__ == "__main__":
    import jax
    _d = setup_inputs()
    print(jax.jit(kernel)(*tuple(_d.values())))

</pallas_src>

<mosaic_0001>
#map = affine_map<(d0, d1) -> (0, 0)>
#map1 = affine_map<(d0, d1) -> (0, 0, 0, 0)>
module attributes {stable_mosaic.version = 14 : i64} {
  func.func @_sc_body(%arg0: i32, %arg1: i32, %arg2: memref<4096x128xi32, #tpu.memory_space<hbm>>, %arg3: memref<4096x128xi32, #tpu.memory_space<hbm>>, %arg4: memref<4096x128xi32, #tpu.memory_space<hbm>>, %arg5: memref<100000x128xf32, #tpu.memory_space<hbm>>, %arg6: memref<1000000x128xf32, #tpu.memory_space<hbm>>, %arg7: memref<1000000x128xf32, #tpu.memory_space<hbm>>, %arg8: memref<4096x3x56x128xf32, #tpu.memory_space<hbm>>, %arg9: memref<128x56xi32, #tpu.memory_space<vmem>>, %arg10: memref<2x8x56x128xf32, #tpu.memory_space<vmem>>, %arg11: memref<!tpu.dma_semaphore, #tpu.memory_space<semaphore_mem>>, %arg12: memref<!tpu.dma_semaphore, #tpu.memory_space<semaphore_mem>>, %arg13: memref<2x!tpu.dma_semaphore, #tpu.memory_space<semaphore_mem>>) attributes {dimension_semantics = [#tpu.dimension_semantics<core_parallel>, #tpu.dimension_semantics<subcore_parallel>], iteration_bounds = array<i64: 2, 16>, scalar_prefetch = 0 : i64, scratch_operands = 5 : i64, tpu.core_type = #tpu.core_type<sc_vector_subcore>, window_params = [{transform_indices = #map}, {transform_indices = #map}, {transform_indices = #map}, {transform_indices = #map}, {transform_indices = #map}, {transform_indices = #map}, {transform_indices = #map1}]} {
    %mul3A = arith.constant 2 : i32
    %mul3A_0 = arith.muli %arg1, %mul3A : i32
    %add3A = arith.addi %mul3A_0, %arg0 : i32
    %mul3A_1 = arith.constant 128 : i32
    %mul3A_2 = arith.muli %add3A, %mul3A_1 : i32
    %dma_start3A = arith.constant 0 : i32
    %dma_start3A_3 = tpu.memref_slice %arg2[%mul3A_2, %dma_start3A] : memref<4096x128xi32, #tpu.memory_space<hbm>> -> memref<128x56xi32, #tpu.memory_space<hbm>>
    %dma_start3A_4 = arith.constant 0 : i32
    %dma_start3A_5 = tpu.memref_slice %arg2[%mul3A_2, %dma_start3A_4] : memref<4096x128xi32, #tpu.memory_space<hbm>> -> memref<128x56xi32, #tpu.memory_space<hbm>>
    tpu.enqueue_dma source(%dma_start3A_5 : memref<128x56xi32, #tpu.memory_space<hbm>>) target(%arg9 : memref<128x56xi32, #tpu.memory_space<vmem>>) target_semaphore(%arg11 : memref<!tpu.dma_semaphore, #tpu.memory_space<semaphore_mem>>)
    %dma_wait3A = arith.constant 0 : i32
    %dma_wait3A_6 = tpu.memref_slice %arg2[%mul3A_2, %dma_wait3A] : memref<4096x128xi32, #tpu.memory_space<hbm>> -> memref<128x56xi32, #tpu.memory_space<hbm>>
    %dma_wait3A_7 = arith.constant 0 : i32
    %dma_wait3A_8 = tpu.memref_slice %arg2[%mul3A_2, %dma_wait3A_7] : memref<4096x128xi32, #tpu.memory_space<hbm>> -> memref<128x56xi32, #tpu.memory_space<hbm>>
    tpu.wait_dma2 semaphore(%arg11 : memref<!tpu.dma_semaphore, #tpu.memory_space<semaphore_mem>>) src(%dma_wait3A_8 : memref<128x56xi32, #tpu.memory_space<hbm>>) dst(%arg9 : memref<128x56xi32, #tpu.memory_space<vmem>>)
    %scan3A = arith.constant 0 : i32
    %scan3A_9 = arith.constant 16 : i32
    %scan3A_10 = arith.addi %scan3A, %scan3A_9 : i32
    %scan3A_11 = arith.constant 1 : i32
    scf.for %scan3A_177 = %scan3A to %scan3A_10 step %scan3A_11  : i32 {
      %mul3A_178 = arith.constant 1 : i32
      %mul3A_179 = arith.muli %scan3A_177, %mul3A_178 : i32
      %add3A_180 = arith.constant 0 : i32
      %add3A_181 = arith.addi %add3A_180, %mul3A_179 : i32
      %rem3A = arith.constant 2 : i32
      %rem3A_182 = arith.remsi %add3A_181, %rem3A : i32
      %mul3A_183 = arith.constant 8 : i32
      %mul3A_184 = arith.muli %add3A_181, %mul3A_183 : i32
      %add3A_185 = arith.addi %mul3A_2, %mul3A_184 : i32
      %ge3A = arith.constant 2 : i32
      %ge3A_186 = arith.cmpi sge, %add3A_181, %ge3A : i32
      %convert_element_type3A = arith.extui %ge3A_186 : i1 to i32
      %cond3A = arith.constant 0 : i32
      %cond3A_187 = arith.cmpi ne, %convert_element_type3A, %cond3A : i32
      scf.if %cond3A_187 {
        %dma_wait3A_219 = arith.constant 0 : i32
        %dma_wait3A_220 = arith.constant 0 : i32
        %dma_wait3A_221 = arith.constant 0 : i32
        %dma_wait3A_222 = arith.constant 0 : i32
        %dma_wait3A_223 = tpu.memref_slice %arg10[%rem3A_182, %dma_wait3A_220, %dma_wait3A_221, %dma_wait3A_222] : memref<2x8x56x128xf32, #tpu.memory_space<vmem>> -> memref<1x8x56x128xf32, #tpu.memory_space<vmem>>
        %dma_wait3A_224 = tpu.memref_squeeze %dma_wait3A_223 : memref<1x8x56x128xf32, #tpu.memory_space<vmem>> -> memref<8x56x128xf32, #tpu.memory_space<vmem>>
        %dma_wait3A_225 = arith.constant 0 : i32
        %dma_wait3A_226 = arith.constant 0 : i32
        %dma_wait3A_227 = tpu.memref_slice %arg8[%add3A_185, %dma_wait3A_219, %dma_wait3A_225, %dma_wait3A_226] : memref<4096x3x56x128xf32, #tpu.memory_space<hbm>> -> memref<8x1x56x128xf32, #tpu.memory_space<hbm>>
        %dma_wait3A_228 = tpu.memref_squeeze %dma_wait3A_227 : memref<8x1x56x128xf32, #tpu.memory_space<hbm>> -> memref<8x56x128xf32, #tpu.memory_space<hbm>>
        %dma_wait3A_229 = tpu.memref_slice %arg13[%rem3A_182] : memref<2x!tpu.dma_semaphore, #tpu.memory_space<semaphore_mem>> -> memref<1x!tpu.dma_semaphore, #tpu.memory_space<semaphore_mem>>
        %dma_wait3A_230 = tpu.memref_squeeze %dma_wait3A_229 : memref<1x!tpu.dma_semaphore, #tpu.memory_space<semaphore_mem>> -> memref<!tpu.dma_semaphore, #tpu.memory_space<semaphore_mem>>
        %dma_wait3A_231 = arith.constant 0 : i32
        %dma_wait3A_232 = arith.constant 0 : i32
        %dma_wait3A_233 = tpu.memref_slice %arg8[%add3A_185, %dma_wait3A_219, %dma_wait3A_231, %dma_wait3A_232] : memref<4096x3x56x128xf32, #tpu.memory_space<hbm>> -> memref<8x1x56x128xf32, #tpu.memory_space<hbm>>
        %dma_wait3A_234 = tpu.memref_squeeze %dma_wait3A_233 : memref<8x1x56x128xf32, #tpu.memory_space<hbm>> -> memref<8x56x128xf32, #tpu.memory_space<hbm>>
        %dma_wait3A_235 = arith.constant 0 : i32
        %dma_wait3A_236 = arith.constant 0 : i32
        %dma_wait3A_237 = arith.constant 0 : i32
        %dma_wait3A_238 = tpu.memref_slice %arg10[%rem3A_182, %dma_wait3A_235, %dma_wait3A_236, %dma_wait3A_237] : memref<2x8x56x128xf32, #tpu.memory_space<vmem>> -> memref<1x8x56x128xf32, #tpu.memory_space<vmem>>
        %dma_wait3A_239 = tpu.memref_squeeze %dma_wait3A_238 : memref<1x8x56x128xf32, #tpu.memory_space<vmem>> -> memref<8x56x128xf32, #tpu.memory_space<vmem>>
        tpu.wait_dma2 semaphore(%dma_wait3A_230 : memref<!tpu.dma_semaphore, #tpu.memory_space<semaphore_mem>>) src(%dma_wait3A_239 : memref<8x56x128xf32, #tpu.memory_space<vmem>>) dst(%dma_wait3A_234 : memref<8x56x128xf32, #tpu.memory_space<hbm>>)
      } else {
      }
      %scan3A_188 = arith.constant 0 : i32
      %scan3A_189 = arith.constant 8 : i32
      %scan3A_190 = arith.addi %scan3A_188, %scan3A_189 : i32
      %scan3A_191 = arith.constant 1 : i32
      scf.for %scan3A_219 = %scan3A_188 to %scan3A_190 step %scan3A_191  : i32 {
        %mul3A_220 = arith.constant 1 : i32
        %mul3A_221 = arith.muli %scan3A_219, %mul3A_220 : i32
        %add3A_222 = arith.constant 0 : i32
        %add3A_223 = arith.addi %add3A_222, %mul3A_221 : i32
        %mul3A_224 = arith.constant 8 : i32
        %mul3A_225 = arith.muli %add3A_181, %mul3A_224 : i32
        %add3A_226 = arith.addi %mul3A_225, %add3A_223 : i32
        %dma_start3A_227 = arith.constant 0 : i32
        %dma_start3A_228 = arith.constant 0 : i32
        %dma_start3A_229 = tpu.memref_slice %arg10[%rem3A_182, %add3A_223, %dma_start3A_227, %dma_start3A_228] : memref<2x8x56x128xf32, #tpu.memory_space<vmem>> -> memref<1x1x56x128xf32, #tpu.memory_space<vmem>>
        %dma_start3A_230 = tpu.memref_squeeze %dma_start3A_229 : memref<1x1x56x128xf32, #tpu.memory_space<vmem>> -> memref<56x128xf32, #tpu.memory_space<vmem>>
        %dma_start3A_231 = arith.constant 0 : i32
        %dma_start3A_232 = tpu.memref_slice %arg9[%add3A_226, %dma_start3A_231] : memref<128x56xi32, #tpu.memory_space<vmem>> -> memref<1x56xi32, #tpu.memory_space<vmem>>
        %dma_start3A_233 = tpu.memref_squeeze %dma_start3A_232 : memref<1x56xi32, #tpu.memory_space<vmem>> -> memref<56xi32, #tpu.memory_space<vmem>>
        %dma_start3A_234 = arith.constant 0 : i32
        %dma_start3A_235 = arith.constant 0 : i32
        %dma_start3A_236 = tpu.memref_slice %arg5[%dma_start3A_234, %dma_start3A_235] : memref<100000x128xf32, #tpu.memory_space<hbm>> -> memref<100000x128xf32, #tpu.memory_space<hbm>>
        tpu.enqueue_indirect_dma source(%dma_start3A_236 : memref<100000x128xf32, #tpu.memory_space<hbm>>) target(%dma_start3A_230 : memref<56x128xf32, #tpu.memory_space<vmem>>) offsets(%dma_start3A_233 : memref<56xi32, #tpu.memory_space<vmem>>) semaphore(%arg12 : memref<!tpu.dma_semaphore, #tpu.memory_space<semaphore_mem>>)
      }
      %scan3A_192 = arith.constant 8 : i32
      %scan3A_193 = arith.constant 0 : i32
      %scan3A_194 = arith.constant 8 : i32
      %scan3A_195 = arith.addi %scan3A_193, %scan3A_194 : i32
      %scan3A_196 = arith.constant 1 : i32
      scf.for %scan3A_219 = %scan3A_193 to %scan3A_195 step %scan3A_196  : i32 {
        %mul3A_220 = arith.constant 1 : i32
        %mul3A_221 = arith.muli %scan3A_219, %mul3A_220 : i32
        %add3A_222 = arith.constant 0 : i32
        %add3A_223 = arith.addi %add3A_222, %mul3A_221 : i32
        %mul3A_224 = arith.constant 8 : i32
        %mul3A_225 = arith.muli %add3A_181, %mul3A_224 : i32
        %add3A_226 = arith.addi %mul3A_225, %add3A_223 : i32
        %dma_wait3A_227 = arith.constant 0 : i32
        %dma_wait3A_228 = arith.constant 0 : i32
        %dma_wait3A_229 = tpu.memref_slice %arg10[%rem3A_182, %add3A_223, %dma_wait3A_227, %dma_wait3A_228] : memref<2x8x56x128xf32, #tpu.memory_space<vmem>> -> memref<1x1x56x128xf32, #tpu.memory_space<vmem>>
        %dma_wait3A_230 = tpu.memref_squeeze %dma_wait3A_229 : memref<1x1x56x128xf32, #tpu.memory_space<vmem>> -> memref<56x128xf32, #tpu.memory_space<vmem>>
        %dma_wait3A_231 = arith.constant 0 : i32
        %dma_wait3A_232 = tpu.memref_slice %arg9[%add3A_226, %dma_wait3A_231] : memref<128x56xi32, #tpu.memory_space<vmem>> -> memref<1x56xi32, #tpu.memory_space<vmem>>
        %dma_wait3A_233 = tpu.memref_squeeze %dma_wait3A_232 : memref<1x56xi32, #tpu.memory_space<vmem>> -> memref<56xi32, #tpu.memory_space<vmem>>
        %dma_wait3A_234 = arith.constant 0 : i32
        %dma_wait3A_235 = arith.constant 0 : i32
        %dma_wait3A_236 = tpu.memref_slice %arg5[%dma_wait3A_234, %dma_wait3A_235] : memref<100000x128xf32, #tpu.memory_space<hbm>> -> memref<100000x128xf32, #tpu.memory_space<hbm>>
        tpu.wait_indirect_dma semaphore(%arg12 : memref<!tpu.dma_semaphore, #tpu.memory_space<semaphore_mem>>) src(%dma_wait3A_236 : memref<100000x128xf32, #tpu.memory_space<hbm>>) dst(%dma_wait3A_230 : memref<56x128xf32, #tpu.memory_space<vmem>>)
      }
      %scan3A_197 = arith.constant 8 : i32
      %dma_start3A_198 = arith.constant 0 : i32
      %dma_start3A_199 = arith.constant 0 : i32
      %dma_start3A_200 = arith.constant 0 : i32
      %dma_start3A_201 = arith.constant 0 : i32
      %dma_start3A_202 = tpu.memref_slice %arg10[%rem3A_182, %dma_start3A_199, %dma_start3A_200, %dma_start3A_201] : memref<2x8x56x128xf32, #tpu.memory_space<vmem>> -> memref<1x8x56x128xf32, #tpu.memory_space<vmem>>
      %dma_start3A_203 = tpu.memref_squeeze %dma_start3A_202 : memref<1x8x56x128xf32, #tpu.memory_space<vmem>> -> memref<8x56x128xf32, #tpu.memory_space<vmem>>
      %dma_start3A_204 = arith.constant 0 : i32
      %dma_start3A_205 = arith.constant 0 : i32
      %dma_start3A_206 = tpu.memref_slice %arg8[%add3A_185, %dma_start3A_198, %dma_start3A_204, %dma_start3A_205] : memref<4096x3x56x128xf32, #tpu.memory_space<hbm>> -> memref<8x1x56x128xf32, #tpu.memory_space<hbm>>
      %dma_start3A_207 = tpu.memref_squeeze %dma_start3A_206 : memref<8x1x56x128xf32, #tpu.memory_space<hbm>> -> memref<8x56x128xf32, #tpu.memory_space<hbm>>
      %dma_start3A_208 = tpu.memref_slice %arg13[%rem3A_182] : memref<2x!tpu.dma_semaphore, #tpu.memory_space<semaphore_mem>> -> memref<1x!tpu.dma_semaphore, #tpu.memory_space<semaphore_mem>>
      %dma_start3A_209 = tpu.memref_squeeze %dma_start3A_208 : memref<1x!tpu.dma_semaphore, #tpu.memory_space<semaphore_mem>> -> memref<!tpu.dma_semaphore, #tpu.memory_space<semaphore_mem>>
      %dma_start3A_210 = arith.constant 0 : i32
      %dma_start3A_211 = arith.constant 0 : i32
      %dma_start3A_212 = tpu.memref_slice %arg8[%add3A_185, %dma_start3A_198, %dma_start3A_210, %dma_start3A_211] : memref<4096x3x56x128xf32, #tpu.memory_space<hbm>> -> memref<8x1x56x128xf32, #tpu.memory_space<hbm>>
      %dma_start3A_213 = tpu.memref_squeeze %dma_start3A_212 : memref<8x1x56x128xf32, #tpu.memory_space<hbm>> -> memref<8x56x128xf32, #tpu.memory_space<hbm>>
      %dma_start3A_214 = arith.constant 0 : i32
      %dma_start3A_215 = arith.constant 0 : i32
      %dma_start3A_216 = arith.constant 0 : i32
      %dma_start3A_217 = tpu.memref_slice %arg10[%rem3A_182, %dma_start3A_214, %dma_start3A_215, %dma_start3A_216] : memref<2x8x56x128xf32, #tpu.memory_space<vmem>> -> memref<1x8x56x128xf32, #tpu.memory_space<vmem>>
      %dma_start3A_218 = tpu.memref_squeeze %dma_start3A_217 : memref<1x8x56x128xf32, #tpu.memory_space<vmem>> -> memref<8x56x128xf32, #tpu.memory_space<vmem>>
      tpu.enqueue_dma source(%dma_start3A_218 : memref<8x56x128xf32, #tpu.memory_space<vmem>>) target(%dma_start3A_213 : memref<8x56x128xf32, #tpu.memory_space<hbm>>) target_semaphore(%dma_start3A_209 : memref<!tpu.dma_semaphore, #tpu.memory_space<semaphore_mem>>)
    }
    %scan3A_12 = arith.constant 16 : i32
    %dma_wait3A_13 = arith.constant 0 : i32
    %dma_wait3A_14 = arith.constant 0 : i32
    %dma_wait3A_15 = arith.constant 0 : i32
    %dma_wait3A_16 = arith.constant 0 : i32
    %dma_wait3A_17 = arith.constant 0 : i32
    %dma_wait3A_18 = arith.constant 0 : i32
    %dma_wait3A_19 = tpu.memref_slice %arg10[%dma_wait3A_13, %dma_wait3A_16, %dma_wait3A_17, %dma_wait3A_18] : memref<2x8x56x128xf32, #tpu.memory_space<vmem>> -> memref<1x8x56x128xf32, #tpu.memory_space<vmem>>
    %dma_wait3A_20 = tpu.memref_squeeze %dma_wait3A_19 : memref<1x8x56x128xf32, #tpu.memory_space<vmem>> -> memref<8x56x128xf32, #tpu.memory_space<vmem>>
    %dma_wait3A_21 = arith.constant 0 : i32
    %dma_wait3A_22 = arith.constant 0 : i32
    %dma_wait3A_23 = tpu.memref_slice %arg8[%mul3A_2, %dma_wait3A_14, %dma_wait3A_21, %dma_wait3A_22] : memref<4096x3x56x128xf32, #tpu.memory_space<hbm>> -> memref<8x1x56x128xf32, #tpu.memory_space<hbm>>
    %dma_wait3A_24 = tpu.memref_squeeze %dma_wait3A_23 : memref<8x1x56x128xf32, #tpu.memory_space<hbm>> -> memref<8x56x128xf32, #tpu.memory_space<hbm>>
    %dma_wait3A_25 = tpu.memref_slice %arg13[%dma_wait3A_15] : memref<2x!tpu.dma_semaphore, #tpu.memory_space<semaphore_mem>> -> memref<1x!tpu.dma_semaphore, #tpu.memory_space<semaphore_mem>>
    %dma_wait3A_26 = tpu.memref_squeeze %dma_wait3A_25 : memref<1x!tpu.dma_semaphore, #tpu.memory_space<semaphore_mem>> -> memref<!tpu.dma_semaphore, #tpu.memory_space<semaphore_mem>>
    %dma_wait3A_27 = arith.constant 0 : i32
    %dma_wait3A_28 = arith.constant 0 : i32
    %dma_wait3A_29 = tpu.memref_slice %arg8[%mul3A_2, %dma_wait3A_14, %dma_wait3A_27, %dma_wait3A_28] : memref<4096x3x56x128xf32, #tpu.memory_space<hbm>> -> memref<8x1x56x128xf32, #tpu.memory_space<hbm>>
    %dma_wait3A_30 = tpu.memref_squeeze %dma_wait3A_29 : memref<8x1x56x128xf32, #tpu.memory_space<hbm>> -> memref<8x56x128xf32, #tpu.memory_space<hbm>>
    %dma_wait3A_31 = arith.constant 0 : i32
    %dma_wait3A_32 = arith.constant 0 : i32
    %dma_wait3A_33 = arith.constant 0 : i32
    %dma_wait3A_34 = tpu.memref_slice %arg10[%dma_wait3A_13, %dma_wait3A_31, %dma_wait3A_32, %dma_wait3A_33] : memref<2x8x56x128xf32, #tpu.memory_space<vmem>> -> memref<1x8x56x128xf32, #tpu.memory_space<vmem>>
    %dma_wait3A_35 = tpu.memref_squeeze %dma_wait3A_34 : memref<1x8x56x128xf32, #tpu.memory_space<vmem>> -> memref<8x56x128xf32, #tpu.memory_space<vmem>>
    tpu.wait_dma2 semaphore(%dma_wait3A_26 : memref<!tpu.dma_semaphore, #tpu.memory_space<semaphore_mem>>) src(%dma_wait3A_35 : memref<8x56x128xf32, #tpu.memory_space<vmem>>) dst(%dma_wait3A_30 : memref<8x56x128xf32, #tpu.memory_space<hbm>>)
    %dma_wait3A_36 = arith.constant 1 : i32
    %dma_wait3A_37 = arith.constant 0 : i32
    %dma_wait3A_38 = arith.constant 1 : i32
    %dma_wait3A_39 = arith.constant 0 : i32
    %dma_wait3A_40 = arith.constant 0 : i32
    %dma_wait3A_41 = arith.constant 0 : i32
    %dma_wait3A_42 = tpu.memref_slice %arg10[%dma_wait3A_36, %dma_wait3A_39, %dma_wait3A_40, %dma_wait3A_41] : memref<2x8x56x128xf32, #tpu.memory_space<vmem>> -> memref<1x8x56x128xf32, #tpu.memory_space<vmem>>
    %dma_wait3A_43 = tpu.memref_squeeze %dma_wait3A_42 : memref<1x8x56x128xf32, #tpu.memory_space<vmem>> -> memref<8x56x128xf32, #tpu.memory_space<vmem>>
    %dma_wait3A_44 = arith.constant 0 : i32
    %dma_wait3A_45 = arith.constant 0 : i32
    %dma_wait3A_46 = tpu.memref_slice %arg8[%mul3A_2, %dma_wait3A_37, %dma_wait3A_44, %dma_wait3A_45] : memref<4096x3x56x128xf32, #tpu.memory_space<hbm>> -> memref<8x1x56x128xf32, #tpu.memory_space<hbm>>
    %dma_wait3A_47 = tpu.memref_squeeze %dma_wait3A_46 : memref<8x1x56x128xf32, #tpu.memory_space<hbm>> -> memref<8x56x128xf32, #tpu.memory_space<hbm>>
    %dma_wait3A_48 = tpu.memref_slice %arg13[%dma_wait3A_38] : memref<2x!tpu.dma_semaphore, #tpu.memory_space<semaphore_mem>> -> memref<1x!tpu.dma_semaphore, #tpu.memory_space<semaphore_mem>>
    %dma_wait3A_49 = tpu.memref_squeeze %dma_wait3A_48 : memref<1x!tpu.dma_semaphore, #tpu.memory_space<semaphore_mem>> -> memref<!tpu.dma_semaphore, #tpu.memory_space<semaphore_mem>>
    %dma_wait3A_50 = arith.constant 0 : i32
    %dma_wait3A_51 = arith.constant 0 : i32
    %dma_wait3A_52 = tpu.memref_slice %arg8[%mul3A_2, %dma_wait3A_37, %dma_wait3A_50, %dma_wait3A_51] : memref<4096x3x56x128xf32, #tpu.memory_space<hbm>> -> memref<8x1x56x128xf32, #tpu.memory_space<hbm>>
    %dma_wait3A_53 = tpu.memref_squeeze %dma_wait3A_52 : memref<8x1x56x128xf32, #tpu.memory_space<hbm>> -> memref<8x56x128xf32, #tpu.memory_space<hbm>>
    %dma_wait3A_54 = arith.constant 0 : i32
    %dma_wait3A_55 = arith.constant 0 : i32
    %dma_wait3A_56 = arith.constant 0 : i32
    %dma_wait3A_57 = tpu.memref_slice %arg10[%dma_wait3A_36, %dma_wait3A_54, %dma_wait3A_55, %dma_wait3A_56] : memref<2x8x56x128xf32, #tpu.memory_space<vmem>> -> memref<1x8x56x128xf32, #tpu.memory_space<vmem>>
    %dma_wait3A_58 = tpu.memref_squeeze %dma_wait3A_57 : memref<1x8x56x128xf32, #tpu.memory_space<vmem>> -> memref<8x56x128xf32, #tpu.memory_space<vmem>>
    tpu.wait_dma2 semaphore(%dma_wait3A_49 : memref<!tpu.dma_semaphore, #tpu.memory_space<semaphore_mem>>) src(%dma_wait3A_58 : memref<8x56x128xf32, #tpu.memory_space<vmem>>) dst(%dma_wait3A_53 : memref<8x56x128xf32, #tpu.memory_space<hbm>>)
    %dma_start3A_59 = arith.constant 0 : i32
    %dma_start3A_60 = tpu.memref_slice %arg3[%mul3A_2, %dma_start3A_59] : memref<4096x128xi32, #tpu.memory_space<hbm>> -> memref<128x56xi32, #tpu.memory_space<hbm>>
    %dma_start3A_61 = arith.constant 0 : i32
    %dma_start3A_62 = tpu.memref_slice %arg3[%mul3A_2, %dma_start3A_61] : memref<4096x128xi32, #tpu.memory_space<hbm>> -> memref<128x56xi32, #tpu.memory_space<hbm>>
    tpu.enqueue_dma source(%dma_start3A_62 : memref<128x56xi32, #tpu.memory_space<hbm>>) target(%arg9 : memref<128x56xi32, #tpu.memory_space<vmem>>) target_semaphore(%arg11 : memref<!tpu.dma_semaphore, #tpu.memory_space<semaphore_mem>>)
    %dma_wait3A_63 = arith.constant 0 : i32
    %dma_wait3A_64 = tpu.memref_slice %arg3[%mul3A_2, %dma_wait3A_63] : memref<4096x128xi32, #tpu.memory_space<hbm>> -> memref<128x56xi32, #tpu.memory_space<hbm>>
    %dma_wait3A_65 = arith.constant 0 : i32
    %dma_wait3A_66 = tpu.memref_slice %arg3[%mul3A_2, %dma_wait3A_65] : memref<4096x128xi32, #tpu.memory_space<hbm>> -> memref<128x56xi32, #tpu.memory_space<hbm>>
    tpu.wait_dma2 semaphore(%arg11 : memref<!tpu.dma_semaphore, #tpu.memory_space<semaphore_mem>>) src(%dma_wait3A_66 : memref<128x56xi32, #tpu.memory_space<hbm>>) dst(%arg9 : memref<128x56xi32, #tpu.memory_space<vmem>>)
    %scan3A_67 = arith.constant 0 : i32
    %scan3A_68 = arith.constant 16 : i32
    %scan3A_69 = arith.addi %scan3A_67, %scan3A_68 : i32
    %scan3A_70 = arith.constant 1 : i32
    scf.for %scan3A_177 = %scan3A_67 to %scan3A_69 step %scan3A_70  : i32 {
      %mul3A_178 = arith.constant 1 : i32
      %mul3A_179 = arith.muli %scan3A_177, %mul3A_178 : i32
      %add3A_180 = arith.constant 0 : i32
      %add3A_181 = arith.addi %add3A_180, %mul3A_179 : i32
      %rem3A = arith.constant 2 : i32
      %rem3A_182 = arith.remsi %add3A_181, %rem3A : i32
      %mul3A_183 = arith.constant 8 : i32
      %mul3A_184 = arith.muli %add3A_181, %mul3A_183 : i32
      %add3A_185 = arith.addi %mul3A_2, %mul3A_184 : i32
      %ge3A = arith.constant 2 : i32
      %ge3A_186 = arith.cmpi sge, %add3A_181, %ge3A : i32
      %convert_element_type3A = arith.extui %ge3A_186 : i1 to i32
      %cond3A = arith.constant 0 : i32
      %cond3A_187 = arith.cmpi ne, %convert_element_type3A, %cond3A : i32
      scf.if %cond3A_187 {
        %dma_wait3A_219 = arith.constant 1 : i32
        %dma_wait3A_220 = arith.constant 0 : i32
        %dma_wait3A_221 = arith.constant 0 : i32
        %dma_wait3A_222 = arith.constant 0 : i32
        %dma_wait3A_223 = tpu.memref_slice %arg10[%rem3A_182, %dma_wait3A_220, %dma_wait3A_221, %dma_wait3A_222] : memref<2x8x56x128xf32, #tpu.memory_space<vmem>> -> memref<1x8x56x128xf32, #tpu.memory_space<vmem>>
        %dma_wait3A_224 = tpu.memref_squeeze %dma_wait3A_223 : memref<1x8x56x128xf32, #tpu.memory_space<vmem>> -> memref<8x56x128xf32, #tpu.memory_space<vmem>>
        %dma_wait3A_225 = arith.constant 0 : i32
        %dma_wait3A_226 = arith.constant 0 : i32
        %dma_wait3A_227 = tpu.memref_slice %arg8[%add3A_185, %dma_wait3A_219, %dma_wait3A_225, %dma_wait3A_226] : memref<4096x3x56x128xf32, #tpu.memory_space<hbm>> -> memref<8x1x56x128xf32, #tpu.memory_space<hbm>>
        %dma_wait3A_228 = tpu.memref_squeeze %dma_wait3A_227 : memref<8x1x56x128xf32, #tpu.memory_space<hbm>> -> memref<8x56x128xf32, #tpu.memory_space<hbm>>
        %dma_wait3A_229 = tpu.memref_slice %arg13[%rem3A_182] : memref<2x!tpu.dma_semaphore, #tpu.memory_space<semaphore_mem>> -> memref<1x!tpu.dma_semaphore, #tpu.memory_space<semaphore_mem>>
        %dma_wait3A_230 = tpu.memref_squeeze %dma_wait3A_229 : memref<1x!tpu.dma_semaphore, #tpu.memory_space<semaphore_mem>> -> memref<!tpu.dma_semaphore, #tpu.memory_space<semaphore_mem>>
        %dma_wait3A_231 = arith.constant 0 : i32
        %dma_wait3A_232 = arith.constant 0 : i32
        %dma_wait3A_233 = tpu.memref_slice %arg8[%add3A_185, %dma_wait3A_219, %dma_wait3A_231, %dma_wait3A_232] : memref<4096x3x56x128xf32, #tpu.memory_space<hbm>> -> memref<8x1x56x128xf32, #tpu.memory_space<hbm>>
        %dma_wait3A_234 = tpu.memref_squeeze %dma_wait3A_233 : memref<8x1x56x128xf32, #tpu.memory_space<hbm>> -> memref<8x56x128xf32, #tpu.memory_space<hbm>>
        %dma_wait3A_235 = arith.constant 0 : i32
        %dma_wait3A_236 = arith.constant 0 : i32
        %dma_wait3A_237 = arith.constant 0 : i32
        %dma_wait3A_238 = tpu.memref_slice %arg10[%rem3A_182, %dma_wait3A_235, %dma_wait3A_236, %dma_wait3A_237] : memref<2x8x56x128xf32, #tpu.memory_space<vmem>> -> memref<1x8x56x128xf32, #tpu.memory_space<vmem>>
        %dma_wait3A_239 = tpu.memref_squeeze %dma_wait3A_238 : memref<1x8x56x128xf32, #tpu.memory_space<vmem>> -> memref<8x56x128xf32, #tpu.memory_space<vmem>>
        tpu.wait_dma2 semaphore(%dma_wait3A_230 : memref<!tpu.dma_semaphore, #tpu.memory_space<semaphore_mem>>) src(%dma_wait3A_239 : memref<8x56x128xf32, #tpu.memory_space<vmem>>) dst(%dma_wait3A_234 : memref<8x56x128xf32, #tpu.memory_space<hbm>>)
      } else {
      }
      %scan3A_188 = arith.constant 0 : i32
      %scan3A_189 = arith.constant 8 : i32
      %scan3A_190 = arith.addi %scan3A_188, %scan3A_189 : i32
      %scan3A_191 = arith.constant 1 : i32
      scf.for %scan3A_219 = %scan3A_188 to %scan3A_190 step %scan3A_191  : i32 {
        %mul3A_220 = arith.constant 1 : i32
        %mul3A_221 = arith.muli %scan3A_219, %mul3A_220 : i32
        %add3A_222 = arith.constant 0 : i32
        %add3A_223 = arith.addi %add3A_222, %mul3A_221 : i32
        %mul3A_224 = arith.constant 8 : i32
        %mul3A_225 = arith.muli %add3A_181, %mul3A_224 : i32
        %add3A_226 = arith.addi %mul3A_225, %add3A_223 : i32
        %dma_start3A_227 = arith.constant 0 : i32
        %dma_start3A_228 = arith.constant 0 : i32
        %dma_start3A_229 = tpu.memref_slice %arg10[%rem3A_182, %add3A_223, %dma_start3A_227, %dma_start3A_228] : memref<2x8x56x128xf32, #tpu.memory_space<vmem>> -> memref<1x1x56x128xf32, #tpu.memory_space<vmem>>
        %dma_start3A_230 = tpu.memref_squeeze %dma_start3A_229 : memref<1x1x56x128xf32, #tpu.memory_space<vmem>> -> memref<56x128xf32, #tpu.memory_space<vmem>>
        %dma_start3A_231 = arith.constant 0 : i32
        %dma_start3A_232 = tpu.memref_slice %arg9[%add3A_226, %dma_start3A_231] : memref<128x56xi32, #tpu.memory_space<vmem>> -> memref<1x56xi32, #tpu.memory_space<vmem>>
        %dma_start3A_233 = tpu.memref_squeeze %dma_start3A_232 : memref<1x56xi32, #tpu.memory_space<vmem>> -> memref<56xi32, #tpu.memory_space<vmem>>
        %dma_start3A_234 = arith.constant 0 : i32
        %dma_start3A_235 = arith.constant 0 : i32
        %dma_start3A_236 = tpu.memref_slice %arg6[%dma_start3A_234, %dma_start3A_235] : memref<1000000x128xf32, #tpu.memory_space<hbm>> -> memref<1000000x128xf32, #tpu.memory_space<hbm>>
        tpu.enqueue_indirect_dma source(%dma_start3A_236 : memref<1000000x128xf32, #tpu.memory_space<hbm>>) target(%dma_start3A_230 : memref<56x128xf32, #tpu.memory_space<vmem>>) offsets(%dma_start3A_233 : memref<56xi32, #tpu.memory_space<vmem>>) semaphore(%arg12 : memref<!tpu.dma_semaphore, #tpu.memory_space<semaphore_mem>>)
      }
      %scan3A_192 = arith.constant 8 : i32
      %scan3A_193 = arith.constant 0 : i32
      %scan3A_194 = arith.constant 8 : i32
      %scan3A_195 = arith.addi %scan3A_193, %scan3A_194 : i32
      %scan3A_196 = arith.constant 1 : i32
      scf.for %scan3A_219 = %scan3A_193 to %scan3A_195 step %scan3A_196  : i32 {
        %mul3A_220 = arith.constant 1 : i32
        %mul3A_221 = arith.muli %scan3A_219, %mul3A_220 : i32
        %add3A_222 = arith.constant 0 : i32
        %add3A_223 = arith.addi %add3A_222, %mul3A_221 : i32
        %mul3A_224 = arith.constant 8 : i32
        %mul3A_225 = arith.muli %add3A_181, %mul3A_224 : i32
        %add3A_226 = arith.addi %mul3A_225, %add3A_223 : i32
        %dma_wait3A_227 = arith.constant 0 : i32
        %dma_wait3A_228 = arith.constant 0 : i32
        %dma_wait3A_229 = tpu.memref_slice %arg10[%rem3A_182, %add3A_223, %dma_wait3A_227, %dma_wait3A_228] : memref<2x8x56x128xf32, #tpu.memory_space<vmem>> -> memref<1x1x56x128xf32, #tpu.memory_space<vmem>>
        %dma_wait3A_230 = tpu.memref_squeeze %dma_wait3A_229 : memref<1x1x56x128xf32, #tpu.memory_space<vmem>> -> memref<56x128xf32, #tpu.memory_space<vmem>>
        %dma_wait3A_231 = arith.constant 0 : i32
        %dma_wait3A_232 = tpu.memref_slice %arg9[%add3A_226, %dma_wait3A_231] : memref<128x56xi32, #tpu.memory_space<vmem>> -> memref<1x56xi32, #tpu.memory_space<vmem>>
        %dma_wait3A_233 = tpu.memref_squeeze %dma_wait3A_232 : memref<1x56xi32, #tpu.memory_space<vmem>> -> memref<56xi32, #tpu.memory_space<vmem>>
        %dma_wait3A_234 = arith.constant 0 : i32
        %dma_wait3A_235 = arith.constant 0 : i32
        %dma_wait3A_236 = tpu.memref_slice %arg6[%dma_wait3A_234, %dma_wait3A_235] : memref<1000000x128xf32, #tpu.memory_space<hbm>> -> memref<1000000x128xf32, #tpu.memory_space<hbm>>
        tpu.wait_indirect_dma semaphore(%arg12 : memref<!tpu.dma_semaphore, #tpu.memory_space<semaphore_mem>>) src(%dma_wait3A_236 : memref<1000000x128xf32, #tpu.memory_space<hbm>>) dst(%dma_wait3A_230 : memref<56x128xf32, #tpu.memory_space<vmem>>)
      }
      %scan3A_197 = arith.constant 8 : i32
      %dma_start3A_198 = arith.constant 1 : i32
      %dma_start3A_199 = arith.constant 0 : i32
      %dma_start3A_200 = arith.constant 0 : i32
      %dma_start3A_201 = arith.constant 0 : i32
      %dma_start3A_202 = tpu.memref_slice %arg10[%rem3A_182, %dma_start3A_199, %dma_start3A_200, %dma_start3A_201] : memref<2x8x56x128xf32, #tpu.memory_space<vmem>> -> memref<1x8x56x128xf32, #tpu.memory_space<vmem>>
      %dma_start3A_203 = tpu.memref_squeeze %dma_start3A_202 : memref<1x8x56x128xf32, #tpu.memory_space<vmem>> -> memref<8x56x128xf32, #tpu.memory_space<vmem>>
      %dma_start3A_204 = arith.constant 0 : i32
      %dma_start3A_205 = arith.constant 0 : i32
      %dma_start3A_206 = tpu.memref_slice %arg8[%add3A_185, %dma_start3A_198, %dma_start3A_204, %dma_start3A_205] : memref<4096x3x56x128xf32, #tpu.memory_space<hbm>> -> memref<8x1x56x128xf32, #tpu.memory_space<hbm>>
      %dma_start3A_207 = tpu.memref_squeeze %dma_start3A_206 : memref<8x1x56x128xf32, #tpu.memory_space<hbm>> -> memref<8x56x128xf32, #tpu.memory_space<hbm>>
      %dma_start3A_208 = tpu.memref_slice %arg13[%rem3A_182] : memref<2x!tpu.dma_semaphore, #tpu.memory_space<semaphore_mem>> -> memref<1x!tpu.dma_semaphore, #tpu.memory_space<semaphore_mem>>
      %dma_start3A_209 = tpu.memref_squeeze %dma_start3A_208 : memref<1x!tpu.dma_semaphore, #tpu.memory_space<semaphore_mem>> -> memref<!tpu.dma_semaphore, #tpu.memory_space<semaphore_mem>>
      %dma_start3A_210 = arith.constant 0 : i32
      %dma_start3A_211 = arith.constant 0 : i32
      %dma_start3A_212 = tpu.memref_slice %arg8[%add3A_185, %dma_start3A_198, %dma_start3A_210, %dma_start3A_211] : memref<4096x3x56x128xf32, #tpu.memory_space<hbm>> -> memref<8x1x56x128xf32, #tpu.memory_space<hbm>>
      %dma_start3A_213 = tpu.memref_squeeze %dma_start3A_212 : memref<8x1x56x128xf32, #tpu.memory_space<hbm>> -> memref<8x56x128xf32, #tpu.memory_space<hbm>>
      %dma_start3A_214 = arith.constant 0 : i32
      %dma_start3A_215 = arith.constant 0 : i32
      %dma_start3A_216 = arith.constant 0 : i32
      %dma_start3A_217 = tpu.memref_slice %arg10[%rem3A_182, %dma_start3A_214, %dma_start3A_215, %dma_start3A_216] : memref<2x8x56x128xf32, #tpu.memory_space<vmem>> -> memref<1x8x56x128xf32, #tpu.memory_space<vmem>>
      %dma_start3A_218 = tpu.memref_squeeze %dma_start3A_217 : memref<1x8x56x128xf32, #tpu.memory_space<vmem>> -> memref<8x56x128xf32, #tpu.memory_space<vmem>>
      tpu.enqueue_dma source(%dma_start3A_218 : memref<8x56x128xf32, #tpu.memory_space<vmem>>) target(%dma_start3A_213 : memref<8x56x128xf32, #tpu.memory_space<hbm>>) target_semaphore(%dma_start3A_209 : memref<!tpu.dma_semaphore, #tpu.memory_space<semaphore_mem>>)
    }
    %scan3A_71 = arith.constant 16 : i32
    %dma_wait3A_72 = arith.constant 0 : i32
    %dma_wait3A_73 = arith.constant 1 : i32
    %dma_wait3A_74 = arith.constant 0 : i32
    %dma_wait3A_75 = arith.constant 0 : i32
    %dma_wait3A_76 = arith.constant 0 : i32
    %dma_wait3A_77 = arith.constant 0 : i32
    %dma_wait3A_78 = tpu.memref_slice %arg10[%dma_wait3A_72, %dma_wait3A_75, %dma_wait3A_76, %dma_wait3A_77] : memref<2x8x56x128xf32, #tpu.memory_space<vmem>> -> memref<1x8x56x128xf32, #tpu.memory_space<vmem>>
    %dma_wait3A_79 = tpu.memref_squeeze %dma_wait3A_78 : memref<1x8x56x128xf32, #tpu.memory_space<vmem>> -> memref<8x56x128xf32, #tpu.memory_space<vmem>>
    %dma_wait3A_80 = arith.constant 0 : i32
    %dma_wait3A_81 = arith.constant 0 : i32
    %dma_wait3A_82 = tpu.memref_slice %arg8[%mul3A_2, %dma_wait3A_73, %dma_wait3A_80, %dma_wait3A_81] : memref<4096x3x56x128xf32, #tpu.memory_space<hbm>> -> memref<8x1x56x128xf32, #tpu.memory_space<hbm>>
    %dma_wait3A_83 = tpu.memref_squeeze %dma_wait3A_82 : memref<8x1x56x128xf32, #tpu.memory_space<hbm>> -> memref<8x56x128xf32, #tpu.memory_space<hbm>>
    %dma_wait3A_84 = tpu.memref_slice %arg13[%dma_wait3A_74] : memref<2x!tpu.dma_semaphore, #tpu.memory_space<semaphore_mem>> -> memref<1x!tpu.dma_semaphore, #tpu.memory_space<semaphore_mem>>
    %dma_wait3A_85 = tpu.memref_squeeze %dma_wait3A_84 : memref<1x!tpu.dma_semaphore, #tpu.memory_space<semaphore_mem>> -> memref<!tpu.dma_semaphore, #tpu.memory_space<semaphore_mem>>
    %dma_wait3A_86 = arith.constant 0 : i32
    %dma_wait3A_87 = arith.constant 0 : i32
    %dma_wait3A_88 = tpu.memref_slice %arg8[%mul3A_2, %dma_wait3A_73, %dma_wait3A_86, %dma_wait3A_87] : memref<4096x3x56x128xf32, #tpu.memory_space<hbm>> -> memref<8x1x56x128xf32, #tpu.memory_space<hbm>>
    %dma_wait3A_89 = tpu.memref_squeeze %dma_wait3A_88 : memref<8x1x56x128xf32, #tpu.memory_space<hbm>> -> memref<8x56x128xf32, #tpu.memory_space<hbm>>
    %dma_wait3A_90 = arith.constant 0 : i32
    %dma_wait3A_91 = arith.constant 0 : i32
    %dma_wait3A_92 = arith.constant 0 : i32
    %dma_wait3A_93 = tpu.memref_slice %arg10[%dma_wait3A_72, %dma_wait3A_90, %dma_wait3A_91, %dma_wait3A_92] : memref<2x8x56x128xf32, #tpu.memory_space<vmem>> -> memref<1x8x56x128xf32, #tpu.memory_space<vmem>>
    %dma_wait3A_94 = tpu.memref_squeeze %dma_wait3A_93 : memref<1x8x56x128xf32, #tpu.memory_space<vmem>> -> memref<8x56x128xf32, #tpu.memory_space<vmem>>
    tpu.wait_dma2 semaphore(%dma_wait3A_85 : memref<!tpu.dma_semaphore, #tpu.memory_space<semaphore_mem>>) src(%dma_wait3A_94 : memref<8x56x128xf32, #tpu.memory_space<vmem>>) dst(%dma_wait3A_89 : memref<8x56x128xf32, #tpu.memory_space<hbm>>)
    %dma_wait3A_95 = arith.constant 1 : i32
    %dma_wait3A_96 = arith.constant 1 : i32
    %dma_wait3A_97 = arith.constant 1 : i32
    %dma_wait3A_98 = arith.constant 0 : i32
    %dma_wait3A_99 = arith.constant 0 : i32
    %dma_wait3A_100 = arith.constant 0 : i32
    %dma_wait3A_101 = tpu.memref_slice %arg10[%dma_wait3A_95, %dma_wait3A_98, %dma_wait3A_99, %dma_wait3A_100] : memref<2x8x56x128xf32, #tpu.memory_space<vmem>> -> memref<1x8x56x128xf32, #tpu.memory_space<vmem>>
    %dma_wait3A_102 = tpu.memref_squeeze %dma_wait3A_101 : memref<1x8x56x128xf32, #tpu.memory_space<vmem>> -> memref<8x56x128xf32, #tpu.memory_space<vmem>>
    %dma_wait3A_103 = arith.constant 0 : i32
    %dma_wait3A_104 = arith.constant 0 : i32
    %dma_wait3A_105 = tpu.memref_slice %arg8[%mul3A_2, %dma_wait3A_96, %dma_wait3A_103, %dma_wait3A_104] : memref<4096x3x56x128xf32, #tpu.memory_space<hbm>> -> memref<8x1x56x128xf32, #tpu.memory_space<hbm>>
    %dma_wait3A_106 = tpu.memref_squeeze %dma_wait3A_105 : memref<8x1x56x128xf32, #tpu.memory_space<hbm>> -> memref<8x56x128xf32, #tpu.memory_space<hbm>>
    %dma_wait3A_107 = tpu.memref_slice %arg13[%dma_wait3A_97] : memref<2x!tpu.dma_semaphore, #tpu.memory_space<semaphore_mem>> -> memref<1x!tpu.dma_semaphore, #tpu.memory_space<semaphore_mem>>
    %dma_wait3A_108 = tpu.memref_squeeze %dma_wait3A_107 : memref<1x!tpu.dma_semaphore, #tpu.memory_space<semaphore_mem>> -> memref<!tpu.dma_semaphore, #tpu.memory_space<semaphore_mem>>
    %dma_wait3A_109 = arith.constant 0 : i32
    %dma_wait3A_110 = arith.constant 0 : i32
    %dma_wait3A_111 = tpu.memref_slice %arg8[%mul3A_2, %dma_wait3A_96, %dma_wait3A_109, %dma_wait3A_110] : memref<4096x3x56x128xf32, #tpu.memory_space<hbm>> -> memref<8x1x56x128xf32, #tpu.memory_space<hbm>>
    %dma_wait3A_112 = tpu.memref_squeeze %dma_wait3A_111 : memref<8x1x56x128xf32, #tpu.memory_space<hbm>> -> memref<8x56x128xf32, #tpu.memory_space<hbm>>
    %dma_wait3A_113 = arith.constant 0 : i32
    %dma_wait3A_114 = arith.constant 0 : i32
    %dma_wait3A_115 = arith.constant 0 : i32
    %dma_wait3A_116 = tpu.memref_slice %arg10[%dma_wait3A_95, %dma_wait3A_113, %dma_wait3A_114, %dma_wait3A_115] : memref<2x8x56x128xf32, #tpu.memory_space<vmem>> -> memref<1x8x56x128xf32, #tpu.memory_space<vmem>>
    %dma_wait3A_117 = tpu.memref_squeeze %dma_wait3A_116 : memref<1x8x56x128xf32, #tpu.memory_space<vmem>> -> memref<8x56x128xf32, #tpu.memory_space<vmem>>
    tpu.wait_dma2 semaphore(%dma_wait3A_108 : memref<!tpu.dma_semaphore, #tpu.memory_space<semaphore_mem>>) src(%dma_wait3A_117 : memref<8x56x128xf32, #tpu.memory_space<vmem>>) dst(%dma_wait3A_112 : memref<8x56x128xf32, #tpu.memory_space<hbm>>)
    %dma_start3A_118 = arith.constant 0 : i32
    %dma_start3A_119 = tpu.memref_slice %arg4[%mul3A_2, %dma_start3A_118] : memref<4096x128xi32, #tpu.memory_space<hbm>> -> memref<128x56xi32, #tpu.memory_space<hbm>>
    %dma_start3A_120 = arith.constant 0 : i32
    %dma_start3A_121 = tpu.memref_slice %arg4[%mul3A_2, %dma_start3A_120] : memref<4096x128xi32, #tpu.memory_space<hbm>> -> memref<128x56xi32, #tpu.memory_space<hbm>>
    tpu.enqueue_dma source(%dma_start3A_121 : memref<128x56xi32, #tpu.memory_space<hbm>>) target(%arg9 : memref<128x56xi32, #tpu.memory_space<vmem>>) target_semaphore(%arg11 : memref<!tpu.dma_semaphore, #tpu.memory_space<semaphore_mem>>)
    %dma_wait3A_122 = arith.constant 0 : i32
    %dma_wait3A_123 = tpu.memref_slice %arg4[%mul3A_2, %dma_wait3A_122] : memref<4096x128xi32, #tpu.memory_space<hbm>> -> memref<128x56xi32, #tpu.memory_space<hbm>>
    %dma_wait3A_124 = arith.constant 0 : i32
    %dma_wait3A_125 = tpu.memref_slice %arg4[%mul3A_2, %dma_wait3A_124] : memref<4096x128xi32, #tpu.memory_space<hbm>> -> memref<128x56xi32, #tpu.memory_space<hbm>>
    tpu.wait_dma2 semaphore(%arg11 : memref<!tpu.dma_semaphore, #tpu.memory_space<semaphore_mem>>) src(%dma_wait3A_125 : memref<128x56xi32, #tpu.memory_space<hbm>>) dst(%arg9 : memref<128x56xi32, #tpu.memory_space<vmem>>)
    %scan3A_126 = arith.constant 0 : i32
    %scan3A_127 = arith.constant 16 : i32
    %scan3A_128 = arith.addi %scan3A_126, %scan3A_127 : i32
    %scan3A_129 = arith.constant 1 : i32
    scf.for %scan3A_177 = %scan3A_126 to %scan3A_128 step %scan3A_129  : i32 {
      %mul3A_178 = arith.constant 1 : i32
      %mul3A_179 = arith.muli %scan3A_177, %mul3A_178 : i32
      %add3A_180 = arith.constant 0 : i32
      %add3A_181 = arith.addi %add3A_180, %mul3A_179 : i32
      %rem3A = arith.constant 2 : i32
      %rem3A_182 = arith.remsi %add3A_181, %rem3A : i32
      %mul3A_183 = arith.constant 8 : i32
      %mul3A_184 = arith.muli %add3A_181, %mul3A_183 : i32
      %add3A_185 = arith.addi %mul3A_2, %mul3A_184 : i32
      %ge3A = arith.constant 2 : i32
      %ge3A_186 = arith.cmpi sge, %add3A_181, %ge3A : i32
      %convert_element_type3A = arith.extui %ge3A_186 : i1 to i32
      %cond3A = arith.constant 0 : i32
      %cond3A_187 = arith.cmpi ne, %convert_element_type3A, %cond3A : i32
      scf.if %cond3A_187 {
        %dma_wait3A_219 = arith.constant 2 : i32
        %dma_wait3A_220 = arith.constant 0 : i32
        %dma_wait3A_221 = arith.constant 0 : i32
        %dma_wait3A_222 = arith.constant 0 : i32
        %dma_wait3A_223 = tpu.memref_slice %arg10[%rem3A_182, %dma_wait3A_220, %dma_wait3A_221, %dma_wait3A_222] : memref<2x8x56x128xf32, #tpu.memory_space<vmem>> -> memref<1x8x56x128xf32, #tpu.memory_space<vmem>>
        %dma_wait3A_224 = tpu.memref_squeeze %dma_wait3A_223 : memref<1x8x56x128xf32, #tpu.memory_space<vmem>> -> memref<8x56x128xf32, #tpu.memory_space<vmem>>
        %dma_wait3A_225 = arith.constant 0 : i32
        %dma_wait3A_226 = arith.constant 0 : i32
        %dma_wait3A_227 = tpu.memref_slice %arg8[%add3A_185, %dma_wait3A_219, %dma_wait3A_225, %dma_wait3A_226] : memref<4096x3x56x128xf32, #tpu.memory_space<hbm>> -> memref<8x1x56x128xf32, #tpu.memory_space<hbm>>
        %dma_wait3A_228 = tpu.memref_squeeze %dma_wait3A_227 : memref<8x1x56x128xf32, #tpu.memory_space<hbm>> -> memref<8x56x128xf32, #tpu.memory_space<hbm>>
        %dma_wait3A_229 = tpu.memref_slice %arg13[%rem3A_182] : memref<2x!tpu.dma_semaphore, #tpu.memory_space<semaphore_mem>> -> memref<1x!tpu.dma_semaphore, #tpu.memory_space<semaphore_mem>>
        %dma_wait3A_230 = tpu.memref_squeeze %dma_wait3A_229 : memref<1x!tpu.dma_semaphore, #tpu.memory_space<semaphore_mem>> -> memref<!tpu.dma_semaphore, #tpu.memory_space<semaphore_mem>>
        %dma_wait3A_231 = arith.constant 0 : i32
        %dma_wait3A_232 = arith.constant 0 : i32
        %dma_wait3A_233 = tpu.memref_slice %arg8[%add3A_185, %dma_wait3A_219, %dma_wait3A_231, %dma_wait3A_232] : memref<4096x3x56x128xf32, #tpu.memory_space<hbm>> -> memref<8x1x56x128xf32, #tpu.memory_space<hbm>>
        %dma_wait3A_234 = tpu.memref_squeeze %dma_wait3A_233 : memref<8x1x56x128xf32, #tpu.memory_space<hbm>> -> memref<8x56x128xf32, #tpu.memory_space<hbm>>
        %dma_wait3A_235 = arith.constant 0 : i32
        %dma_wait3A_236 = arith.constant 0 : i32
        %dma_wait3A_237 = arith.constant 0 : i32
        %dma_wait3A_238 = tpu.memref_slice %arg10[%rem3A_182, %dma_wait3A_235, %dma_wait3A_236, %dma_wait3A_237] : memref<2x8x56x128xf32, #tpu.memory_space<vmem>> -> memref<1x8x56x128xf32, #tpu.memory_space<vmem>>
        %dma_wait3A_239 = tpu.memref_squeeze %dma_wait3A_238 : memref<1x8x56x128xf32, #tpu.memory_space<vmem>> -> memref<8x56x128xf32, #tpu.memory_space<vmem>>
        tpu.wait_dma2 semaphore(%dma_wait3A_230 : memref<!tpu.dma_semaphore, #tpu.memory_space<semaphore_mem>>) src(%dma_wait3A_239 : memref<8x56x128xf32, #tpu.memory_space<vmem>>) dst(%dma_wait3A_234 : memref<8x56x128xf32, #tpu.memory_space<hbm>>)
      } else {
      }
      %scan3A_188 = arith.constant 0 : i32
      %scan3A_189 = arith.constant 8 : i32
      %scan3A_190 = arith.addi %scan3A_188, %scan3A_189 : i32
      %scan3A_191 = arith.constant 1 : i32
      scf.for %scan3A_219 = %scan3A_188 to %scan3A_190 step %scan3A_191  : i32 {
        %mul3A_220 = arith.constant 1 : i32
        %mul3A_221 = arith.muli %scan3A_219, %mul3A_220 : i32
        %add3A_222 = arith.constant 0 : i32
        %add3A_223 = arith.addi %add3A_222, %mul3A_221 : i32
        %mul3A_224 = arith.constant 8 : i32
        %mul3A_225 = arith.muli %add3A_181, %mul3A_224 : i32
        %add3A_226 = arith.addi %mul3A_225, %add3A_223 : i32
        %dma_start3A_227 = arith.constant 0 : i32
        %dma_start3A_228 = arith.constant 0 : i32
        %dma_start3A_229 = tpu.memref_slice %arg10[%rem3A_182, %add3A_223, %dma_start3A_227, %dma_start3A_228] : memref<2x8x56x128xf32, #tpu.memory_space<vmem>> -> memref<1x1x56x128xf32, #tpu.memory_space<vmem>>
        %dma_start3A_230 = tpu.memref_squeeze %dma_start3A_229 : memref<1x1x56x128xf32, #tpu.memory_space<vmem>> -> memref<56x128xf32, #tpu.memory_space<vmem>>
        %dma_start3A_231 = arith.constant 0 : i32
        %dma_start3A_232 = tpu.memref_slice %arg9[%add3A_226, %dma_start3A_231] : memref<128x56xi32, #tpu.memory_space<vmem>> -> memref<1x56xi32, #tpu.memory_space<vmem>>
        %dma_start3A_233 = tpu.memref_squeeze %dma_start3A_232 : memref<1x56xi32, #tpu.memory_space<vmem>> -> memref<56xi32, #tpu.memory_space<vmem>>
        %dma_start3A_234 = arith.constant 0 : i32
        %dma_start3A_235 = arith.constant 0 : i32
        %dma_start3A_236 = tpu.memref_slice %arg7[%dma_start3A_234, %dma_start3A_235] : memref<1000000x128xf32, #tpu.memory_space<hbm>> -> memref<1000000x128xf32, #tpu.memory_space<hbm>>
        tpu.enqueue_indirect_dma source(%dma_start3A_236 : memref<1000000x128xf32, #tpu.memory_space<hbm>>) target(%dma_start3A_230 : memref<56x128xf32, #tpu.memory_space<vmem>>) offsets(%dma_start3A_233 : memref<56xi32, #tpu.memory_space<vmem>>) semaphore(%arg12 : memref<!tpu.dma_semaphore, #tpu.memory_space<semaphore_mem>>)
      }
      %scan3A_192 = arith.constant 8 : i32
      %scan3A_193 = arith.constant 0 : i32
      %scan3A_194 = arith.constant 8 : i32
      %scan3A_195 = arith.addi %scan3A_193, %scan3A_194 : i32
      %scan3A_196 = arith.constant 1 : i32
      scf.for %scan3A_219 = %scan3A_193 to %scan3A_195 step %scan3A_196  : i32 {
        %mul3A_220 = arith.constant 1 : i32
        %mul3A_221 = arith.muli %scan3A_219, %mul3A_220 : i32
        %add3A_222 = arith.constant 0 : i32
        %add3A_223 = arith.addi %add3A_222, %mul3A_221 : i32
        %mul3A_224 = arith.constant 8 : i32
        %mul3A_225 = arith.muli %add3A_181, %mul3A_224 : i32
        %add3A_226 = arith.addi %mul3A_225, %add3A_223 : i32
        %dma_wait3A_227 = arith.constant 0 : i32
        %dma_wait3A_228 = arith.constant 0 : i32
        %dma_wait3A_229 = tpu.memref_slice %arg10[%rem3A_182, %add3A_223, %dma_wait3A_227, %dma_wait3A_228] : memref<2x8x56x128xf32, #tpu.memory_space<vmem>> -> memref<1x1x56x128xf32, #tpu.memory_space<vmem>>
        %dma_wait3A_230 = tpu.memref_squeeze %dma_wait3A_229 : memref<1x1x56x128xf32, #tpu.memory_space<vmem>> -> memref<56x128xf32, #tpu.memory_space<vmem>>
        %dma_wait3A_231 = arith.constant 0 : i32
        %dma_wait3A_232 = tpu.memref_slice %arg9[%add3A_226, %dma_wait3A_231] : memref<128x56xi32, #tpu.memory_space<vmem>> -> memref<1x56xi32, #tpu.memory_space<vmem>>
        %dma_wait3A_233 = tpu.memref_squeeze %dma_wait3A_232 : memref<1x56xi32, #tpu.memory_space<vmem>> -> memref<56xi32, #tpu.memory_space<vmem>>
        %dma_wait3A_234 = arith.constant 0 : i32
        %dma_wait3A_235 = arith.constant 0 : i32
        %dma_wait3A_236 = tpu.memref_slice %arg7[%dma_wait3A_234, %dma_wait3A_235] : memref<1000000x128xf32, #tpu.memory_space<hbm>> -> memref<1000000x128xf32, #tpu.memory_space<hbm>>
        tpu.wait_indirect_dma semaphore(%arg12 : memref<!tpu.dma_semaphore, #tpu.memory_space<semaphore_mem>>) src(%dma_wait3A_236 : memref<1000000x128xf32, #tpu.memory_space<hbm>>) dst(%dma_wait3A_230 : memref<56x128xf32, #tpu.memory_space<vmem>>)
      }
      %scan3A_197 = arith.constant 8 : i32
      %dma_start3A_198 = arith.constant 2 : i32
      %dma_start3A_199 = arith.constant 0 : i32
      %dma_start3A_200 = arith.constant 0 : i32
      %dma_start3A_201 = arith.constant 0 : i32
      %dma_start3A_202 = tpu.memref_slice %arg10[%rem3A_182, %dma_start3A_199, %dma_start3A_200, %dma_start3A_201] : memref<2x8x56x128xf32, #tpu.memory_space<vmem>> -> memref<1x8x56x128xf32, #tpu.memory_space<vmem>>
      %dma_start3A_203 = tpu.memref_squeeze %dma_start3A_202 : memref<1x8x56x128xf32, #tpu.memory_space<vmem>> -> memref<8x56x128xf32, #tpu.memory_space<vmem>>
      %dma_start3A_204 = arith.constant 0 : i32
      %dma_start3A_205 = arith.constant 0 : i32
      %dma_start3A_206 = tpu.memref_slice %arg8[%add3A_185, %dma_start3A_198, %dma_start3A_204, %dma_start3A_205] : memref<4096x3x56x128xf32, #tpu.memory_space<hbm>> -> memref<8x1x56x128xf32, #tpu.memory_space<hbm>>
      %dma_start3A_207 = tpu.memref_squeeze %dma_start3A_206 : memref<8x1x56x128xf32, #tpu.memory_space<hbm>> -> memref<8x56x128xf32, #tpu.memory_space<hbm>>
      %dma_start3A_208 = tpu.memref_slice %arg13[%rem3A_182] : memref<2x!tpu.dma_semaphore, #tpu.memory_space<semaphore_mem>> -> memref<1x!tpu.dma_semaphore, #tpu.memory_space<semaphore_mem>>
      %dma_start3A_209 = tpu.memref_squeeze %dma_start3A_208 : memref<1x!tpu.dma_semaphore, #tpu.memory_space<semaphore_mem>> -> memref<!tpu.dma_semaphore, #tpu.memory_space<semaphore_mem>>
      %dma_start3A_210 = arith.constant 0 : i32
      %dma_start3A_211 = arith.constant 0 : i32
      %dma_start3A_212 = tpu.memref_slice %arg8[%add3A_185, %dma_start3A_198, %dma_start3A_210, %dma_start3A_211] : memref<4096x3x56x128xf32, #tpu.memory_space<hbm>> -> memref<8x1x56x128xf32, #tpu.memory_space<hbm>>
      %dma_start3A_213 = tpu.memref_squeeze %dma_start3A_212 : memref<8x1x56x128xf32, #tpu.memory_space<hbm>> -> memref<8x56x128xf32, #tpu.memory_space<hbm>>
      %dma_start3A_214 = arith.constant 0 : i32
      %dma_start3A_215 = arith.constant 0 : i32
      %dma_start3A_216 = arith.constant 0 : i32
      %dma_start3A_217 = tpu.memref_slice %arg10[%rem3A_182, %dma_start3A_214, %dma_start3A_215, %dma_start3A_216] : memref<2x8x56x128xf32, #tpu.memory_space<vmem>> -> memref<1x8x56x128xf32, #tpu.memory_space<vmem>>
      %dma_start3A_218 = tpu.memref_squeeze %dma_start3A_217 : memref<1x8x56x128xf32, #tpu.memory_space<vmem>> -> memref<8x56x128xf32, #tpu.memory_space<vmem>>
      tpu.enqueue_dma source(%dma_start3A_218 : memref<8x56x128xf32, #tpu.memory_space<vmem>>) target(%dma_start3A_213 : memref<8x56x128xf32, #tpu.memory_space<hbm>>) target_semaphore(%dma_start3A_209 : memref<!tpu.dma_semaphore, #tpu.memory_space<semaphore_mem>>)
    }
    %scan3A_130 = arith.constant 16 : i32
    %dma_wait3A_131 = arith.constant 0 : i32
    %dma_wait3A_132 = arith.constant 2 : i32
    %dma_wait3A_133 = arith.constant 0 : i32
    %dma_wait3A_134 = arith.constant 0 : i32
    %dma_wait3A_135 = arith.constant 0 : i32
    %dma_wait3A_136 = arith.constant 0 : i32
    %dma_wait3A_137 = tpu.memref_slice %arg10[%dma_wait3A_131, %dma_wait3A_134, %dma_wait3A_135, %dma_wait3A_136] : memref<2x8x56x128xf32, #tpu.memory_space<vmem>> -> memref<1x8x56x128xf32, #tpu.memory_space<vmem>>
    %dma_wait3A_138 = tpu.memref_squeeze %dma_wait3A_137 : memref<1x8x56x128xf32, #tpu.memory_space<vmem>> -> memref<8x56x128xf32, #tpu.memory_space<vmem>>
    %dma_wait3A_139 = arith.constant 0 : i32
    %dma_wait3A_140 = arith.constant 0 : i32
    %dma_wait3A_141 = tpu.memref_slice %arg8[%mul3A_2, %dma_wait3A_132, %dma_wait3A_139, %dma_wait3A_140] : memref<4096x3x56x128xf32, #tpu.memory_space<hbm>> -> memref<8x1x56x128xf32, #tpu.memory_space<hbm>>
    %dma_wait3A_142 = tpu.memref_squeeze %dma_wait3A_141 : memref<8x1x56x128xf32, #tpu.memory_space<hbm>> -> memref<8x56x128xf32, #tpu.memory_space<hbm>>
    %dma_wait3A_143 = tpu.memref_slice %arg13[%dma_wait3A_133] : memref<2x!tpu.dma_semaphore, #tpu.memory_space<semaphore_mem>> -> memref<1x!tpu.dma_semaphore, #tpu.memory_space<semaphore_mem>>
    %dma_wait3A_144 = tpu.memref_squeeze %dma_wait3A_143 : memref<1x!tpu.dma_semaphore, #tpu.memory_space<semaphore_mem>> -> memref<!tpu.dma_semaphore, #tpu.memory_space<semaphore_mem>>
    %dma_wait3A_145 = arith.constant 0 : i32
    %dma_wait3A_146 = arith.constant 0 : i32
    %dma_wait3A_147 = tpu.memref_slice %arg8[%mul3A_2, %dma_wait3A_132, %dma_wait3A_145, %dma_wait3A_146] : memref<4096x3x56x128xf32, #tpu.memory_space<hbm>> -> memref<8x1x56x128xf32, #tpu.memory_space<hbm>>
    %dma_wait3A_148 = tpu.memref_squeeze %dma_wait3A_147 : memref<8x1x56x128xf32, #tpu.memory_space<hbm>> -> memref<8x56x128xf32, #tpu.memory_space<hbm>>
    %dma_wait3A_149 = arith.constant 0 : i32
    %dma_wait3A_150 = arith.constant 0 : i32
    %dma_wait3A_151 = arith.constant 0 : i32
    %dma_wait3A_152 = tpu.memref_slice %arg10[%dma_wait3A_131, %dma_wait3A_149, %dma_wait3A_150, %dma_wait3A_151] : memref<2x8x56x128xf32, #tpu.memory_space<vmem>> -> memref<1x8x56x128xf32, #tpu.memory_space<vmem>>
    %dma_wait3A_153 = tpu.memref_squeeze %dma_wait3A_152 : memref<1x8x56x128xf32, #tpu.memory_space<vmem>> -> memref<8x56x128xf32, #tpu.memory_space<vmem>>
    tpu.wait_dma2 semaphore(%dma_wait3A_144 : memref<!tpu.dma_semaphore, #tpu.memory_space<semaphore_mem>>) src(%dma_wait3A_153 : memref<8x56x128xf32, #tpu.memory_space<vmem>>) dst(%dma_wait3A_148 : memref<8x56x128xf32, #tpu.memory_space<hbm>>)
    %dma_wait3A_154 = arith.constant 1 : i32
    %dma_wait3A_155 = arith.constant 2 : i32
    %dma_wait3A_156 = arith.constant 1 : i32
    %dma_wait3A_157 = arith.constant 0 : i32
    %dma_wait3A_158 = arith.constant 0 : i32
    %dma_wait3A_159 = arith.constant 0 : i32
    %dma_wait3A_160 = tpu.memref_slice %arg10[%dma_wait3A_154, %dma_wait3A_157, %dma_wait3A_158, %dma_wait3A_159] : memref<2x8x56x128xf32, #tpu.memory_space<vmem>> -> memref<1x8x56x128xf32, #tpu.memory_space<vmem>>
    %dma_wait3A_161 = tpu.memref_squeeze %dma_wait3A_160 : memref<1x8x56x128xf32, #tpu.memory_space<vmem>> -> memref<8x56x128xf32, #tpu.memory_space<vmem>>
    %dma_wait3A_162 = arith.constant 0 : i32
    %dma_wait3A_163 = arith.constant 0 : i32
    %dma_wait3A_164 = tpu.memref_slice %arg8[%mul3A_2, %dma_wait3A_155, %dma_wait3A_162, %dma_wait3A_163] : memref<4096x3x56x128xf32, #tpu.memory_space<hbm>> -> memref<8x1x56x128xf32, #tpu.memory_space<hbm>>
    %dma_wait3A_165 = tpu.memref_squeeze %dma_wait3A_164 : memref<8x1x56x128xf32, #tpu.memory_space<hbm>> -> memref<8x56x128xf32, #tpu.memory_space<hbm>>
    %dma_wait3A_166 = tpu.memref_slice %arg13[%dma_wait3A_156] : memref<2x!tpu.dma_semaphore, #tpu.memory_space<semaphore_mem>> -> memref<1x!tpu.dma_semaphore, #tpu.memory_space<semaphore_mem>>
    %dma_wait3A_167 = tpu.memref_squeeze %dma_wait3A_166 : memref<1x!tpu.dma_semaphore, #tpu.memory_space<semaphore_mem>> -> memref<!tpu.dma_semaphore, #tpu.memory_space<semaphore_mem>>
    %dma_wait3A_168 = arith.constant 0 : i32
    %dma_wait3A_169 = arith.constant 0 : i32
    %dma_wait3A_170 = tpu.memref_slice %arg8[%mul3A_2, %dma_wait3A_155, %dma_wait3A_168, %dma_wait3A_169] : memref<4096x3x56x128xf32, #tpu.memory_space<hbm>> -> memref<8x1x56x128xf32, #tpu.memory_space<hbm>>
    %dma_wait3A_171 = tpu.memref_squeeze %dma_wait3A_170 : memref<8x1x56x128xf32, #tpu.memory_space<hbm>> -> memref<8x56x128xf32, #tpu.memory_space<hbm>>
    %dma_wait3A_172 = arith.constant 0 : i32
    %dma_wait3A_173 = arith.constant 0 : i32
    %dma_wait3A_174 = arith.constant 0 : i32
    %dma_wait3A_175 = tpu.memref_slice %arg10[%dma_wait3A_154, %dma_wait3A_172, %dma_wait3A_173, %dma_wait3A_174] : memref<2x8x56x128xf32, #tpu.memory_space<vmem>> -> memref<1x8x56x128xf32, #tpu.memory_space<vmem>>
    %dma_wait3A_176 = tpu.memref_squeeze %dma_wait3A_175 : memref<1x8x56x128xf32, #tpu.memory_space<vmem>> -> memref<8x56x128xf32, #tpu.memory_space<vmem>>
    tpu.wait_dma2 semaphore(%dma_wait3A_167 : memref<!tpu.dma_semaphore, #tpu.memory_space<semaphore_mem>>) src(%dma_wait3A_176 : memref<8x56x128xf32, #tpu.memory_space<vmem>>) dst(%dma_wait3A_171 : memref<8x56x128xf32, #tpu.memory_space<hbm>>)
    return
  }
}

</mosaic_0001>

<sc_bundles>
// kernel: _sc_embed.3.cloned.1.call-start
scs
__scs_entry_jumppad:
0x0: {  	(pc) =	sbr.rel $0x88, $3  }
0x1: {  	(tag) =	ssettag $0x0;
	lr =	simm.s32 $0x1  }
0x2: {  	[smem:$0x3F9B] =	sst lr;
	_ =	strace $0xD0000000  }
0x3: {  	_ = 	snop  }
0x4: {  	_ = 	snop  }
0x5: {  	_ = 	snop  }
0x6: {  	_ = 	snop  }
0x7: {  	_ = 	snop  }
__scs_overlays_trampoline_lowered:
0x8: {  	[smem:$0x3FAA] =	sst s0  }
0x9: {  	[smem:$0x3FAB] =	sst s1  }
0xa: {  	[smem:$0x3FAC] =	sst s2  }
0xb: {  	[smem:$0x3FAD] =	sst s3  }
0xc: {  	[smem:$0x3FAE] =	sst s4  }
0xd: {  	[smem:$0x3FAF] =	sst s5  }
0xe: {  	[smem:$0x3FB0] =	sst s6  }
0xf: {  	[smem:$0x3FB1] =	sst s7  }
0x10: {  	[smem:$0x3FB2] =	sst s8  }
0x11: {  	[smem:$0x3FB3] =	sst s9;
	s0 =	simm.s32 @!p0 $0x0  }
0x12: {  	s1 =	sld [smem:$0x3F99];
	s0 =	simm.s32 @p0 $0x1  }
0x13: {  	[smem:$0x3FB4] =	sst s0;
	s0 =	simm.s32 @!p1 $0x0  }
0x14: {  	s2 =	sld [smem:$0x3F98];
	s0 =	simm.s32 @p1 $0x1  }
0x15: {  	[smem:$0x3FB5] =	sst s0;
	s0 =	simm.s32 @!p2 $0x0  }
0x16: {  	s3 =	sld [smem:$0x3FDB];
	s0 =	simm.s32 @p2 $0x1  }
0x17: {  	s4 =	simm.s32 $0x1BF5;
	[smem:$0x3FB7] =	sst s0  }
0x18: {  	s0 =	sld [smem:$0x3F9A];
	_ =	swait.ge [sflag:s4], $0x0  }
0x19: {  	s7 =	sld [smem:$0x3F9B]  }
0x1a: {  	s8 =	sadd.s32 $0xFFFFE003, lr  }
0x1b: {  	s9 =	sadd.s32 $0xFFFFFEF7, lr;
	s5 =	simm.s32 $0xFFFFFFFF;
	p2 =	slt.u32 s8, $0xFFFFF086  }
0x1c: {  	p1 =	slt.u32 s9, $0xF7A;
	s5 =	simm.s32 @!p2 $0x0  }
0x1d: {  	s5 =	simm.s32 @p1 $0x1;
	p0 =	seq.s32 s7, s2  }
0x1e: {  	s7 =	smul.u32 @!p0 $0xF7A, s2;
	p2 =	seq.s32 @!p0 s5, $0x0  }
0x1f: {  	s9 =	smul.u32 $0xF7A, s1;
	s8 =	simm.s32 @!p0 $0x1BF5;
	p2 =	por !p2, p0  }
0x20: {  	[sflag:s8] =	ssyncset.s32 @!p0 $0xFFFFF086;
	s6 =	sadd.s32 @!p0 s3, s7;
	s7 =	simm.s32 @!p0 $0x108  }
0x21: {  	s3 =	sadd.s32 s3, s9;
	s6 =	sadd.s32 @!p0 $0x88, s6;
	s7 =	simm.s32 @p2 $0x1082  }
0x22: {  	[simem:s7], [sflag:s8] =	dma.local @!p0 [hbm:s6], $0xF7A  }
0x23: {  	s9 =	sor.u32 $0xD0000000, s2;
	s6 =	simm.s32 $0x108;
	_ =	swait.ge @!p0 [sflag:s8], $0x0  }
0x24: {  	s3 =	sadd.s32 $0x88, s3;
	s6 =	simm.s32 @!p1 $0x1082;
	[sflag:s4] =	ssyncset.s32 $0xFFFFF086  }
0x25: {  	[simem:s6], [sflag:s4] =	dma.local [hbm:s3], $0xF7A  }
0x26: {  	[smem:$0x3F9B] =	sst s1;
	(tag) =	ssettag s2;
	_ =	strace s9  }
0x27: {  	s1 =	sld [smem:$0x3FAB]  }
0x28: {  	s2 =	sld [smem:$0x3FAC]  }
0x29: {  	s4 =	sld [smem:$0x3FAE]  }
0x2a: {  	p0 =	seq.s32 s5, $0x0;
	s5 =	sld [smem:$0x3FAF]  }
0x2b: {  	s6 =	sld [smem:$0x3FB0]  }
0x2c: {  	s7 =	sld [smem:$0x3FB1]  }
0x2d: {  	s3 =	simm.s32 $0x108;
	s8 =	sld [smem:$0x3FB2]  }
0x2e: {  	s3 =	simm.s32 @!p0 $0x1082;
	s9 =	sld [smem:$0x3FB3]  }
0x2f: {  	lr =	sadd.s32 s0, s3;
	s0 =	sld [smem:$0x3FAA]  }
0x30: {  	s3 =	sld [smem:$0x3FAD]  }
0x31: {  	[smem:$0x3FB6] =	sst s10  }
0x32: {  	s10 =	sld [smem:$0x3FB4];
	_ =	sdelay $0x3  }
0x33: {  	p0 =	seq.s32 s10, $0x1;
	s10 =	sld [smem:$0x3FB6];
	_ =	sdelay $0x3  }
0x34: {  	[smem:$0x3FB6] =	sst s10  }
0x35: {  	s10 =	sld [smem:$0x3FB5];
	_ =	sdelay $0x3  }
0x36: {  	p1 =	seq.s32 s10, $0x1;
	s10 =	sld [smem:$0x3FB6];
	_ =	sdelay $0x3  }
0x37: {  	[smem:$0x3FB6] =	sst s10  }
0x38: {  	s10 =	sld [smem:$0x3FB7]  }
0x39: {  	_ = 	snop;
	(pc) =	sbr.ind lr, $3  }
0x3a: {  	_ = 	snop  }
0x3b: {  	_ = 	snop  }
0x3c: {  	p2 =	seq.s32 s10, $0x1;
	s10 =	sld [smem:$0x3FB6]  }
0x3d: {  	_ =	shalt  }
0x3e: {  	_ =	shalt  }
0x3f: {  	_ =	shalt  }
0x40: {  	_ =	shalt  }
0x41: {  	_ =	shalt  }
0x42: {  	_ =	shalt  }
0x43: {  	_ =	shalt  }
0x44: {  	_ =	shalt  }
0x45: {  	_ =	shalt  }
0x46: {  	_ =	shalt  }
0x47: {  	_ =	shalt  }
0x48: {  	_ =	shalt  }
0x49: {  	_ =	shalt  }
0x4a: {  	_ =	shalt  }
0x4b: {  	_ =	shalt  }
0x4c: {  	_ =	shalt  }
0x4d: {  	_ =	shalt  }
0x4e: {  	_ =	shalt  }
0x4f: {  	_ =	shalt  }
0x50: {  	_ =	shalt  }
0x51: {  	_ =	shalt  }
0x52: {  	_ =	shalt  }
0x53: {  	_ =	shalt  }
0x54: {  	_ =	shalt  }
0x55: {  	_ =	shalt  }
0x56: {  	_ =	shalt  }
0x57: {  	_ =	shalt  }
0x58: {  	_ =	shalt  }
0x59: {  	_ =	shalt  }
0x5a: {  	_ =	shalt  }
0x5b: {  	_ =	shalt  }
0x5c: {  	_ =	shalt  }
0x5d: {  	_ =	shalt  }
0x5e: {  	_ =	shalt  }
0x5f: {  	_ =	shalt  }
0x60: {  	_ =	shalt  }
0x61: {  	_ =	shalt  }
0x62: {  	_ =	shalt  }
0x63: {  	_ =	shalt  }
0x64: {  	_ =	shalt  }
0x65: {  	_ =	shalt  }
0x66: {  	_ =	shalt  }
0x67: {  	_ =	shalt  }
0x68: {  	_ =	shalt  }
0x69: {  	_ =	shalt  }
0x6a: {  	_ =	shalt  }
0x6b: {  	_ =	shalt  }
0x6c: {  	_ =	shalt  }
0x6d: {  	_ =	shalt  }
0x6e: {  	_ =	shalt  }
0x6f: {  	_ =	shalt  }
0x70: {  	_ =	shalt  }
0x71: {  	_ =	shalt  }
0x72: {  	_ =	shalt  }
0x73: {  	_ =	shalt  }
0x74: {  	_ =	shalt  }
0x75: {  	_ =	shalt  }
0x76: {  	_ =	shalt  }
0x77: {  	_ =	shalt  }
0x78: {  	_ =	shalt  }
0x79: {  	_ =	shalt  }
0x7a: {  	_ =	shalt  }
0x7b: {  	_ =	shalt  }
0x7c: {  	_ =	shalt  }
0x7d: {  	_ =	shalt  }
0x7e: {  	_ =	shalt  }
0x7f: {  	_ =	shalt  }
0x80: {  	_ =	shalt  }
0x81: {  	_ =	shalt  }
0x82: {  	_ =	shalt  }
0x83: {  	_ =	shalt  }
0x84: {  	_ =	shalt  }
0x85: {  	_ =	shalt  }
0x86: {  	_ =	shalt  }
0x87: {  	_ =	shalt  }
.Lfunc_end0:
.L_simem_size_0:
called_computation_lowered:
.L_overlay_start_0:
0x88: {  	s2 =	sld [smem:$0x3FD9]  }
0x89: {  	s3 =	sld [smem:$0x3FFE];
	_ =	sdelay $0x1  }
0x8a: {  	s1 =	srdreg.scid  }
0x8b: {  	s0 =	sand.u32 $0x1, s1  }
0x8c: {  	s18 =	sshll.u32 s0, $0xA;
	s2 =	sadd.s32 s3, s2  }
0x8d: {  	s2 =	sadd.s32 s2, s18  }
0x8e: {  	[smem:$0x3FC2] =	sst s2  }
0x8f: {  	_ = 	snop  }
0x90: {  	s2 =	sld [smem:$0x3FC9]  }
0x91: {  	s19 =	sld [smem:$0x3FC8]  }
0x92: {  	s4 =	sld [smem:$0x3FC7]  }
0x93: {  	s5 =	sld [smem:$0x3FC6]  }
0x94: {  	s6 =	sld [smem:$0x3FC5]  }
0x95: {  	s7 =	sld [smem:$0x3FC4]  }
0x96: {  	s8 =	sld [smem:$0x3FD0];
	(tm) =	ssettm $0x1  }
0x97: {  	s9 =	sld [smem:$0x3FFB];
	_ =	sdelay $0x3  }
0x98: {  	_ =	strace s9  }
0x99: {  	s9 =	sld [smem:$0x3FFC];
	_ =	sdelay $0x3  }
0x9a: {  	_ =	strace s9  }
0x9b: {  	s9 =	sld [smem:$0x3FFD];
	_ =	sdelay $0x3  }
0x9c: {  	_ =	strace s9  }
0x9d: {  	_ =	strace $0x8FFFFFFF  }
0x9e: {  	s20 =	sld [smem:$0x3FDB];
	_ =	sdelay $0x1  }
0x9f: {  	s10 =	simm.s32 $_scs_section_size  }
0xa0: {  	s11 =	simm.s32 $_size__tile_overlayer_lowered;
	s12 =	simm.s32 $_tile_overlayer_lowered  }
0xa1: {  	s23 =	simm.s32 $0x1BFF;
	s22 =	sshll.u32 s12, $0x1;
	s9 =	sadd.s32 s10, s20  }
0xa2: {  	s13 =	simm.s32 $0x0;
	s21 =	sshll.u32 s11, $0x1;
	s11 =	sadd.s32 s22, s9  }
0xa3: {  	[timem:s13], [sflag:s23] =	dma.local [hbm:s11], s21  }
0xa4: {  	_ =	swait.ge [sflag:s23], s21  }
0xa5: {  	s10 =	ssub.s32 $0x0, s21;
	[sflag:s23] =	ssyncset.done $0x0  }
0xa6: {  	[sflag:s23] =	ssyncadd.s32 s10;
	_ =	sdelay $0x1  }
0xa7: {  	s24 =	simm.s32 $0x1B8B  }
0xa8: {  	_ =	swait.ge [sflag:s24], $0x1  }
0xa9: {  	[sflag:s24] =	ssyncset.done $0x0  }
0xaa: {  	s25 =	simm.s32 $0x1B8E;
	[sflag:s24] =	ssyncadd.s32 $0xFFFFFFFF  }
0xab: {  	s26 =	simm.s32 $execute0_lowered;
	[smem:$0x3FD2] =	sst s25  }
0xac: {  	s10 =	sshll.u32 s26, $0x1;
	_ =	strace $0x80000046;
	[dreg:$0x1] =	wrdreg $0xFFFFFFFF  }
0xad: {  	s28 =	simm.s32 $_size_execute0_lowered;
	s9 =	sadd.s32 s9, s10;
	[dreg:$0x0] =	wrdreg $0x0  }
0xae: {  	s10 =	sshll.u32 s28, $0x1;
	[dreg:$0x2] =	wrdreg s9  }
0xaf: {  	[dreg:$0x3] =	wrdreg s10  }
0xb0: {  	[dreg:$0x4] =	wrdreg $0xC0  }
0xb1: {  	_ =	task [dreg:s13], $0x5FFFF  }
0xb2: {  	[dreg:$0x1] =	wrdreg $0xFFFFFFFF  }
0xb3: {  	[dreg:$0x0] =	wrdreg $0x60  }
0xb4: {  	[dreg:$0x2] =	wrdreg s2  }
0xb5: {  	[dreg:$0x3] =	wrdreg s19  }
0xb6: {  	[dreg:$0x4] =	wrdreg s4  }
0xb7: {  	[dreg:$0x5] =	wrdreg s5  }
0xb8: {  	[dreg:$0x6] =	wrdreg s6  }
0xb9: {  	[dreg:$0x7] =	wrdreg s7  }
0xba: {  	[dreg:$0x8] =	wrdreg s8  }
0xbb: {  	[dreg:$0x9] =	wrdreg $0x9  }
0xbc: {  	_ =	task.clear_ibuf [dreg:s13], $0xAFFFF;
	_ =	strace $0x90000046  }
0xbd: {  	s29 =	simm.s32 $0x9;
	_ =	strace $0x80000048  }
0xbe: {  	_ =	swait.ge [sflag:s29], $0x1  }
0xbf: {  	[sflag:s29] =	ssyncadd.s32 $0xFFFFFFFF  }
0xc0: {  	_ =	strace $0x90000048  }
0xc1: {  	_ =	sfence  }
0xc2: {  	s30 =	sld [smem:$0x0];
	_ =	sdelay $0x2  }
0xc3: {  	s31 =	sshll.u32 s1, $0xD;
	s1 =	sshrl.u32 s1, $0x2  }
0xc4: {  	s3 =	sand.u32 $0x4000, s31;
	s1 =	sadd.s32 s1, s30  }
0xc5: {  	s0 =	sor.u32 s3, s0;
	s1 =	sshll.u32 s1, $0x11  }
0xc6: {  	s0 =	sor.u32 s1, s0  }
0xc7: {  	s0 =	sadd.s32 $0x8F2B, s0  }
0xc8: {  	[sflag:s0] =	ssyncadd.remote.s32 $0x1  }
0xc9: {  	_ =	sfence.sel $0xFFFF  }
0xca: {  	[dreg:$0x0] =	wrdreg $0xFFFFFFFF;
	(pc) =	sbr.abs _section_cstart, $3  }
0xcb: {  	[dreg:$0x1] =	wrdreg $0xFFFFFFFF  }
0xcc: {  	_ =	task.clear_ibuf [dreg:s13], $0x2FFFF;
	_ =	strace $0x9FFFFFFF  }
0xcd: {  	(tm) =	ssettm $0x7FFFFFFF  }
tec
execute0_lowered:
.L_overlay_start_1:
0x0: {  	(tag) =	ssettag $0x1  }
0x1: {  	s6 =	rddreg [dreg:$0x0]  }
0x2: {  	s7 =	rddreg [dreg:$0x1]  }
0x3: {  	s8 =	rddreg [dreg:$0x2]  }
0x4: {  	s1 =	rddreg [dreg:$0x3]  }
0x5: {  	s2 =	rddreg [dreg:$0x4]  }
0x6: {  	s3 =	rddreg [dreg:$0x5]  }
0x7: {  	s12 =	rddreg [dreg:$0x6]  }
0x8: {  	s4 =	srdreg.scid;
	s0 =	simm.s32 $0x0;
	s29 =	stileid.u32  }
0x9: {  	s17 =	simm.s32 $0x1C00;
	s18 =	simm.s32 $0x5400;
	s19 =	simm.s32 $0x3  }
0xa: {  	s20 =	simm.s32 $0x4;
	s21 =	simm.s32 $0x0;
	s13 =	smul.u32 $0x540000, s29  }
0xb: {  	s9 =	sand.u32 $0x1, s4;
	[smem:$0x7FF] =	sst s0;
	s31 =	smul.u32 $0xA8000, s29  }
0xc: {  	s14 =	sshll.u32 s29, $0xC;
	s10 =	ssub.s32 $0x2, s9;
	s16 =	smul.u32 $0x2A0000, s9  }
0xd: {  	_ =	strace $0x80000047;
	s15 =	sshll.u32 s9, $0xB;
	s9 =	smul.u32 $0x54000, s9  }
0xe: {  	s11 =	sshrl.u32 s10, $0x1;
	s30 =	sor.u32 s15, s14;
	s14 =	sadd.s32 s31, s12  }
0xf: {  	s15 =	simm.s32 $0x1;
	s10 =	ssub.s32 s10, s11;
	s6 =	sadd.s32 s6, s30  }
0x10: {  	s13 =	sadd.s32 s16, s13;
	s7 =	sadd.s32 s7, s30;
	s8 =	sadd.s32 s8, s30  }
0x11: {  	s9 =	sadd.s32 s9, s14;
	s14 =	simm.s32 $0x80;
	s13 =	sor.u32 $0x3800, s13  }
0x12: {  	s16 =	simm.s32 $0x2;
	s10 =	smax.u32 s10, $0x1;
	s13 =	sshrl.u32 s13, $0x3  }
0x13: {  	s11 =	sadd.s32 $0x380, s9;
	s12 =	sadd.s32 s13, s12;
	s13 =	simm.s32 $0x38  }
.LBB2_1:
0x14: {  	s0 =	simm.s32 $0x0  }
0x15: {  	[tilespmem:s0], [sflag:$0x1] =	stream.strided.gather [hbm4b:s6+s13], $0x1C00, s14, s13, $0x38;
	[tilespmem:$0x1DC00] =	vst v63  }
0x16: {  	_ =	swait.ge [sflag:s15], $0x1C00  }
0x17: {  	p0 =	por $0x1, $0x1;
	s23 =	sand.u32 $0x1, s0;
	[sflag:s15] =	ssyncset.done $0x0  }
0x18: {  	s22 =	sadd.s32 @!p0 $0x3, s23;
	s24 =	smul.u32 $0x38000, s23;
	[sflag:s15] =	ssyncadd.s32 $0xFFFFE400  }
0x19: {  	_ =	swait.ge @!p0 [sflag:s22], $0xE000  }
0x1a: {  	s25 =	sshrl.u32 s24, $0x2;
	[sflag:s22] =	ssyncset.done @!p0 $0x0  }
0x1b: {  	s31 =	simm.s32 $0x0;
	s24 =	sor.u32 $0x1C00, s25;
	[sflag:s22] =	ssyncadd.s32 @!p0 $0xFFFF2000  }
0x1c: {  	[tilespmem:s24], [sflag:$0x2] =	stream.indirect.gather [hbm4b:s1+s13], $0x80, s31, s13, $0xb8;
	[tilespmem:$0x1DC00] =	vst v63  }
0x1d: {  	s26 =	simm.s32 $0x38;
	s0 =	sadd.s32 $0x3800, s25  }
0x1e: {  	[tilespmem:s0], [sflag:$0x2] =	stream.indirect.gather [hbm4b:s1+s13], $0x80, s26, s13, $0xb8;
	[tilespmem:$0x1DC00] =	vst v63  }
0x1f: {  	s5 =	simm.s32 $0x70;
	s4 =	sadd.s32 $0x5400, s25  }
0x20: {  	[tilespmem:s4], [sflag:$0x2] =	stream.indirect.gather [hbm4b:s1+s13], $0x80, s5, s13, $0xb8;
	[tilespmem:$0x1DC00] =	vst v63  }
0x21: {  	s31 =	sadd.s32 $0x7000, s25;
	s0 =	simm.s32 $0xA8  }
0x22: {  	[tilespmem:s31], [sflag:$0x2] =	stream.indirect.gather [hbm4b:s1+s13], $0x80, s0, s13, $0xb8;
	[tilespmem:$0x1DC00] =	vst v63  }
0x23: {  	s4 =	sadd.s32 $0x8C00, s25;
	s5 =	simm.s32 $0xE0  }
0x24: {  	[tilespmem:s4], [sflag:$0x2] =	stream.indirect.gather [hbm4b:s1+s13], $0x80, s5, s13, $0xb8;
	[tilespmem:$0x1DC00] =	vst v63  }
0x25: {  	s31 =	sadd.s32 $0xA800, s25;
	s0 =	simm.s32 $0x118  }
0x26: {  	[tilespmem:s31], [sflag:$0x2] =	stream.indirect.gather [hbm4b:s1+s13], $0x80, s0, s13, $0xb8;
	[tilespmem:$0x1DC00] =	vst v63  }
0x27: {  	s4 =	sadd.s32 $0xC400, s25;
	s5 =	simm.s32 $0x150  }
0x28: {  	[tilespmem:s4], [sflag:$0x2] =	stream.indirect.gather [hbm4b:s1+s13], $0x80, s5, s13, $0xb8;
	[tilespmem:$0x1DC00] =	vst v63  }
0x29: {  	s26 =	sadd.s32 $0xE000, s25;
	s31 =	simm.s32 $0x188  }
0x2a: {  	[tilespmem:s26], [sflag:$0x2] =	stream.indirect.gather [hbm4b:s1+s13], $0x80, s31, s13, $0xb8;
	[tilespmem:$0x1DC00] =	vst v63  }
0x2b: {  	_ =	swait.ge [sflag:s16], $0x1C00  }
0x2c: {  	[sflag:s16] =	ssyncset.done $0x0  }
0x2d: {  	[sflag:s16] =	ssyncadd.s32 $0xFFFFE400  }
0x2e: {  	_ =	swait.ge [sflag:s16], $0x1C00  }
0x2f: {  	[sflag:s16] =	ssyncset.done $0x0  }
0x30: {  	[sflag:s16] =	ssyncadd.s32 $0xFFFFE400  }
0x31: {  	_ =	swait.ge [sflag:s16], $0x1C00  }
0x32: {  	[sflag:s16] =	ssyncset.done $0x0  }
0x33: {  	[sflag:s16] =	ssyncadd.s32 $0xFFFFE400  }
0x34: {  	_ =	swait.ge [sflag:s16], $0x1C00  }
0x35: {  	[sflag:s16] =	ssyncset.done $0x0  }
0x36: {  	[sflag:s16] =	ssyncadd.s32 $0xFFFFE400  }
0x37: {  	_ =	swait.ge [sflag:s16], $0x1C00  }
0x38: {  	[sflag:s16] =	ssyncset.done $0x0  }
0x39: {  	[sflag:s16] =	ssyncadd.s32 $0xFFFFE400  }
0x3a: {  	_ =	swait.ge [sflag:s16], $0x1C00  }
0x3b: {  	[sflag:s16] =	ssyncset.done $0x0  }
0x3c: {  	[sflag:s16] =	ssyncadd.s32 $0xFFFFE400  }
0x3d: {  	_ =	swait.ge [sflag:s16], $0x1C00  }
0x3e: {  	s28 =	simm.s32 $0x1;
	p1 =	por $0x1, $0x1;
	[sflag:s16] =	ssyncset.done $0x0  }
0x3f: {  	s29 =	smov.u32 s9;
	s30 =	sadd.s32 $0x3, s23;
	[sflag:s16] =	ssyncadd.s32 $0xFFFFE400  }
0x40: {  	s23 =	sand.u32 $0x1, s28;
	s22 =	sadd.s32 $0x5400, s9;
	_ =	swait.ge [sflag:s16], $0x1C00  }
0x41: {  	s25 =	simm.s32 $0x700;
	s26 =	simm.s32 $0xE00;
	[sflag:s16] =	ssyncset.done $0x0  }
.LBB2_2:
0x42: {  	s31 =	sadd.s32 @!p1 $0x3, s23  }
0x43: {  	s0 =	smul.u32 $0x38000, s23;
	[sflag:s16] =	ssyncadd.s32 $0xFFFFE400;
	s4 =	smov.u32 s26  }
0x44: {  	[hbm4b:s29+s17] =	stream.strided.scatter [tilespmem:s24], [sflag:s30], $0xE000, s18, s17, $0x38;
	[tilespmem:$0x1DC00] =	vst v63  }
0x45: {  	s26 =	sadd.s32 $0x700, s26;
	_ =	swait.ge @!p1 [sflag:s31], $0xE000;
	s0 =	sshrl.u32 s0, $0x2  }
0x46: {  	p0 =	sne.s32 s26, $0x7000;
	s29 =	smov.u32 s22;
	[sflag:s31] =	ssyncset.done @!p1 $0x0  }
0x47: {  	s30 =	sshra.s32 s25, $0x2;
	s24 =	sor.u32 $0x1C00, s0;
	[sflag:s31] =	ssyncadd.s32 @!p1 $0xFFFF2000  }
0x48: {  	[tilespmem:s24], [sflag:$0x2] =	stream.indirect.gather [hbm4b:s1+s13], $0x80, s30, s13, $0xb8;
	[tilespmem:$0x1DC00] =	vst v63  }
0x49: {  	s25 =	smov.u32 s4;
	s5 =	sadd.s32 $0x38, s30;
	s31 =	sadd.s32 $0x3800, s0  }
0x4a: {  	[tilespmem:s31], [sflag:$0x2] =	stream.indirect.gather [hbm4b:s1+s13], $0x80, s5, s13, $0xb8;
	[tilespmem:$0x1DC00] =	vst v63  }
0x4b: {  	s4 =	sadd.s32 $0x5400, s0;
	s5 =	sadd.s32 $0x70, s30  }
0x4c: {  	[tilespmem:s4], [sflag:$0x2] =	stream.indirect.gather [hbm4b:s1+s13], $0x80, s5, s13, $0xb8;
	[tilespmem:$0x1DC00] =	vst v63  }
0x4d: {  	s4 =	sadd.s32 $0x7000, s0;
	s5 =	sadd.s32 $0xA8, s30  }
0x4e: {  	[tilespmem:s4], [sflag:$0x2] =	stream.indirect.gather [hbm4b:s1+s13], $0x80, s5, s13, $0xb8;
	[tilespmem:$0x1DC00] =	vst v63  }
0x4f: {  	s4 =	sadd.s32 $0x8C00, s0;
	s5 =	sadd.s32 $0xE0, s30  }
0x50: {  	[tilespmem:s4], [sflag:$0x2] =	stream.indirect.gather [hbm4b:s1+s13], $0x80, s5, s13, $0xb8;
	[tilespmem:$0x1DC00] =	vst v63  }
0x51: {  	s4 =	sadd.s32 $0xA800, s0;
	s5 =	sadd.s32 $0x118, s30  }
0x52: {  	[tilespmem:s4], [sflag:$0x2] =	stream.indirect.gather [hbm4b:s1+s13], $0x80, s5, s13, $0xb8;
	[tilespmem:$0x1DC00] =	vst v63  }
0x53: {  	s4 =	sadd.s32 $0xC400, s0;
	s5 =	sadd.s32 $0x150, s30  }
0x54: {  	[tilespmem:s4], [sflag:$0x2] =	stream.indirect.gather [hbm4b:s1+s13], $0x80, s5, s13, $0xb8;
	[tilespmem:$0x1DC00] =	vst v63  }
0x55: {  	s0 =	sadd.s32 $0xE000, s0;
	s4 =	sadd.s32 $0x188, s30  }
0x56: {  	[tilespmem:s0], [sflag:$0x2] =	stream.indirect.gather [hbm4b:s1+s13], $0x80, s4, s13, $0xb8;
	[tilespmem:$0x1DC00] =	vst v63  }
0x57: {  	_ =	swait.ge [sflag:s16], $0x1C00  }
0x58: {  	[sflag:s16] =	ssyncset.done $0x0  }
0x59: {  	[sflag:s16] =	ssyncadd.s32 $0xFFFFE400  }
0x5a: {  	_ =	swait.ge [sflag:s16], $0x1C00  }
0x5b: {  	[sflag:s16] =	ssyncset.done $0x0  }
0x5c: {  	[sflag:s16] =	ssyncadd.s32 $0xFFFFE400  }
0x5d: {  	_ =	swait.ge [sflag:s16], $0x1C00  }
0x5e: {  	[sflag:s16] =	ssyncset.done $0x0  }
0x5f: {  	[sflag:s16] =	ssyncadd.s32 $0xFFFFE400  }
0x60: {  	_ =	swait.ge [sflag:s16], $0x1C00  }
0x61: {  	[sflag:s16] =	ssyncset.done $0x0  }
0x62: {  	[sflag:s16] =	ssyncadd.s32 $0xFFFFE400  }
0x63: {  	_ =	swait.ge [sflag:s16], $0x1C00  }
0x64: {  	[sflag:s16] =	ssyncset.done $0x0  }
0x65: {  	[sflag:s16] =	ssyncadd.s32 $0xFFFFE400  }
0x66: {  	_ =	swait.ge [sflag:s16], $0x1C00  }
0x67: {  	[sflag:s16] =	ssyncset.done $0x0  }
0x68: {  	[sflag:s16] =	ssyncadd.s32 $0xFFFFE400  }
.Ltmp0:
0x69: {  	_ =	swait.ge [sflag:s16], $0x1C00;
	(pc) =	sbr.rel @p0 .LBB2_2-.Ltmp0, $4  }
0x6a: {  	[sflag:s16] =	ssyncset.done $0x0  }
0x6b: {  	s22 =	sadd.s32 $0x5400, s22;
	[sflag:s16] =	ssyncadd.s32 $0xFFFFE400  }
0x6c: {  	s28 =	sadd.s32 $0x1, s28;
	s30 =	sadd.s32 $0x3, s23;
	_ =	swait.ge [sflag:s16], $0x1C00  }
0x6d: {  	p1 =	slt.u32 s28, $0x2;
	s23 =	sand.u32 $0x1, s28;
	[sflag:s16] =	ssyncset.done $0x0  }
0x6e: {  	s0 =	sadd.s32 @!p1 $0x3, s23;
	s4 =	smul.u32 $0x38000, s23;
	[sflag:s16] =	ssyncadd.s32 $0xFFFFE400  }
0x6f: {  	[hbm4b:s29+s17] =	stream.strided.scatter [tilespmem:s24], [sflag:s30], $0xE000, s18, s17, $0x38;
	[tilespmem:$0x1DC00] =	vst v63  }
0x70: {  	_ =	swait.ge @!p1 [sflag:s0], $0xE000  }
0x71: {  	s4 =	sshrl.u32 s4, $0x2;
	[sflag:s0] =	ssyncset.done @!p1 $0x0  }
0x72: {  	s5 =	sshra.s32 s25, $0x2;
	[sflag:s0] =	ssyncadd.s32 @!p1 $0xFFFF2000;
	s0 =	sor.u32 $0x1C00, s4  }
0x73: {  	[tilespmem:s0], [sflag:$0x2] =	stream.indirect.gather [hbm4b:s1+s13], $0x80, s5, s13, $0xb8;
	[tilespmem:$0x1DC00] =	vst v63  }
0x74: {  	s25 =	sadd.s32 $0x38, s5;
	s31 =	sadd.s32 $0x3800, s4  }
0x75: {  	[tilespmem:s31], [sflag:$0x2] =	stream.indirect.gather [hbm4b:s1+s13], $0x80, s25, s13, $0xb8;
	[tilespmem:$0x1DC00] =	vst v63  }
0x76: {  	s26 =	sadd.s32 $0x5400, s4;
	s31 =	sadd.s32 $0x70, s5  }
0x77: {  	[tilespmem:s26], [sflag:$0x2] =	stream.indirect.gather [hbm4b:s1+s13], $0x80, s31, s13, $0xb8;
	[tilespmem:$0x1DC00] =	vst v63  }
0x78: {  	s26 =	sadd.s32 $0x7000, s4;
	s31 =	sadd.s32 $0xA8, s5  }
0x79: {  	[tilespmem:s26], [sflag:$0x2] =	stream.indirect.gather [hbm4b:s1+s13], $0x80, s31, s13, $0xb8;
	[tilespmem:$0x1DC00] =	vst v63  }
0x7a: {  	s26 =	sadd.s32 $0x8C00, s4;
	s31 =	sadd.s32 $0xE0, s5  }
0x7b: {  	[tilespmem:s26], [sflag:$0x2] =	stream.indirect.gather [hbm4b:s1+s13], $0x80, s31, s13, $0xb8;
	[tilespmem:$0x1DC00] =	vst v63  }
0x7c: {  	s26 =	sadd.s32 $0xA800, s4;
	s31 =	sadd.s32 $0x118, s5  }
0x7d: {  	[tilespmem:s26], [sflag:$0x2] =	stream.indirect.gather [hbm4b:s1+s13], $0x80, s31, s13, $0xb8;
	[tilespmem:$0x1DC00] =	vst v63  }
0x7e: {  	s26 =	sadd.s32 $0xC400, s4;
	s31 =	sadd.s32 $0x150, s5  }
0x7f: {  	[tilespmem:s26], [sflag:$0x2] =	stream.indirect.gather [hbm4b:s1+s13], $0x80, s31, s13, $0xb8;
	[tilespmem:$0x1DC00] =	vst v63  }
0x80: {  	s4 =	sadd.s32 $0xE000, s4;
	s5 =	sadd.s32 $0x188, s5  }
0x81: {  	[tilespmem:s4], [sflag:$0x2] =	stream.indirect.gather [hbm4b:s1+s13], $0x80, s5, s13, $0xb8;
	[tilespmem:$0x1DC00] =	vst v63  }
0x82: {  	_ =	swait.ge [sflag:s16], $0x1C00  }
0x83: {  	[sflag:s16] =	ssyncset.done $0x0  }
0x84: {  	[sflag:s16] =	ssyncadd.s32 $0xFFFFE400  }
0x85: {  	_ =	swait.ge [sflag:s16], $0x1C00  }
0x86: {  	[sflag:s16] =	ssyncset.done $0x0  }
0x87: {  	[sflag:s16] =	ssyncadd.s32 $0xFFFFE400  }
0x88: {  	_ =	swait.ge [sflag:s16], $0x1C00  }
0x89: {  	[sflag:s16] =	ssyncset.done $0x0  }
0x8a: {  	[sflag:s16] =	ssyncadd.s32 $0xFFFFE400  }
0x8b: {  	_ =	swait.ge [sflag:s16], $0x1C00  }
0x8c: {  	[sflag:s16] =	ssyncset.done $0x0  }
0x8d: {  	[sflag:s16] =	ssyncadd.s32 $0xFFFFE400  }
0x8e: {  	_ =	swait.ge [sflag:s16], $0x1C00  }
0x8f: {  	[sflag:s16] =	ssyncset.done $0x0  }
0x90: {  	[sflag:s16] =	ssyncadd.s32 $0xFFFFE400  }
0x91: {  	_ =	swait.ge [sflag:s16], $0x1C00  }
0x92: {  	[sflag:s16] =	ssyncset.done $0x0  }
0x93: {  	[sflag:s16] =	ssyncadd.s32 $0xFFFFE400  }
0x94: {  	_ =	swait.ge [sflag:s16], $0x1C00  }
0x95: {  	[sflag:s16] =	ssyncset.done $0x0  }
0x96: {  	[sflag:s16] =	ssyncadd.s32 $0xFFFFE400  }
0x97: {  	_ =	swait.ge [sflag:s16], $0x1C00  }
0x98: {  	[sflag:s16] =	ssyncset.done $0x0  }
0x99: {  	s5 =	sadd.s32 $0x3, s23;
	[sflag:s16] =	ssyncadd.s32 $0xFFFFE400  }
0x9a: {  	[hbm4b:s22+s17] =	stream.strided.scatter [tilespmem:s0], [sflag:s5], $0xE000, s18, s17, $0x38;
	[tilespmem:$0x1DC00] =	vst v63  }
0x9b: {  	_ =	swait.ge [sflag:s19], $0xE000  }
0x9c: {  	[sflag:s19] =	ssyncset.done $0x0  }
0x9d: {  	[sflag:s19] =	ssyncadd.s32 $0xFFFF2000  }
0x9e: {  	_ =	swait.ge [sflag:s20], $0xE000  }
0x9f: {  	[sflag:s20] =	ssyncset.done $0x0  }
0xa0: {  	s23 =	simm.s32 $0x0;
	[sflag:s20] =	ssyncadd.s32 $0xFFFF2000  }
0xa1: {  	[tilespmem:s23], [sflag:$0x1] =	stream.strided.gather [hbm4b:s7+s13], $0x1C00, s14, s13, $0x38;
	[tilespmem:$0x1DC00] =	vst v63  }
0xa2: {  	_ =	swait.ge [sflag:s15], $0x1C00  }
0xa3: {  	p0 =	por $0x1, $0x1;
	s0 =	sand.u32 $0x1, s23;
	[sflag:s15] =	ssyncset.done $0x0  }
0xa4: {  	s4 =	sadd.s32 @!p0 $0x3, s0;
	s24 =	smul.u32 $0x38000, s0;
	[sflag:s15] =	ssyncadd.s32 $0xFFFFE400  }
0xa5: {  	_ =	swait.ge @!p0 [sflag:s4], $0xE000  }
0xa6: {  	s5 =	sshrl.u32 s24, $0x2;
	[sflag:s4] =	ssyncset.done @!p0 $0x0  }
0xa7: {  	s25 =	simm.s32 $0x0;
	s24 =	sor.u32 $0x1C00, s5;
	[sflag:s4] =	ssyncadd.s32 @!p0 $0xFFFF2000  }
0xa8: {  	[tilespmem:s24], [sflag:$0x2] =	stream.indirect.gather [hbm4b:s2+s13], $0x80, s25, s13, $0xb8;
	[tilespmem:$0x1DC00] =	vst v63  }
0xa9: {  	s31 =	simm.s32 $0x38;
	s26 =	sadd.s32 $0x3800, s5  }
0xaa: {  	[tilespmem:s26], [sflag:$0x2] =	stream.indirect.gather [hbm4b:s2+s13], $0x80, s31, s13, $0xb8;
	[tilespmem:$0x1DC00] =	vst v63  }
0xab: {  	s23 =	sadd.s32 $0x5400, s5;
	s25 =	simm.s32 $0x70  }
0xac: {  	[tilespmem:s23], [sflag:$0x2] =	stream.indirect.gather [hbm4b:s2+s13], $0x80, s25, s13, $0xb8;
	[tilespmem:$0x1DC00] =	vst v63  }
0xad: {  	s26 =	sadd.s32 $0x7000, s5;
	s31 =	simm.s32 $0xA8  }
0xae: {  	[tilespmem:s26], [sflag:$0x2] =	stream.indirect.gather [hbm4b:s2+s13], $0x80, s31, s13, $0xb8;
	[tilespmem:$0x1DC00] =	vst v63  }
0xaf: {  	s23 =	sadd.s32 $0x8C00, s5;
	s25 =	simm.s32 $0xE0  }
0xb0: {  	[tilespmem:s23], [sflag:$0x2] =	stream.indirect.gather [hbm4b:s2+s13], $0x80, s25, s13, $0xb8;
	[tilespmem:$0x1DC00] =	vst v63  }
0xb1: {  	s26 =	sadd.s32 $0xA800, s5;
	s31 =	simm.s32 $0x118  }
0xb2: {  	[tilespmem:s26], [sflag:$0x2] =	stream.indirect.gather [hbm4b:s2+s13], $0x80, s31, s13, $0xb8;
	[tilespmem:$0x1DC00] =	vst v63  }
0xb3: {  	s23 =	sadd.s32 $0xC400, s5;
	s25 =	simm.s32 $0x150  }
0xb4: {  	[tilespmem:s23], [sflag:$0x2] =	stream.indirect.gather [hbm4b:s2+s13], $0x80, s25, s13, $0xb8;
	[tilespmem:$0x1DC00] =	vst v63  }
0xb5: {  	s26 =	sadd.s32 $0xE000, s5;
	s31 =	simm.s32 $0x188  }
0xb6: {  	[tilespmem:s26], [sflag:$0x2] =	stream.indirect.gather [hbm4b:s2+s13], $0x80, s31, s13, $0xb8;
	[tilespmem:$0x1DC00] =	vst v63  }
0xb7: {  	_ =	swait.ge [sflag:s16], $0x1C00  }
0xb8: {  	[sflag:s16] =	ssyncset.done $0x0  }
0xb9: {  	[sflag:s16] =	ssyncadd.s32 $0xFFFFE400  }
0xba: {  	_ =	swait.ge [sflag:s16], $0x1C00  }
0xbb: {  	[sflag:s16] =	ssyncset.done $0x0  }
0xbc: {  	[sflag:s16] =	ssyncadd.s32 $0xFFFFE400  }
0xbd: {  	_ =	swait.ge [sflag:s16], $0x1C00  }
0xbe: {  	[sflag:s16] =	ssyncset.done $0x0  }
0xbf: {  	[sflag:s16] =	ssyncadd.s32 $0xFFFFE400  }
0xc0: {  	_ =	swait.ge [sflag:s16], $0x1C00  }
0xc1: {  	[sflag:s16] =	ssyncset.done $0x0  }
0xc2: {  	[sflag:s16] =	ssyncadd.s32 $0xFFFFE400  }
0xc3: {  	_ =	swait.ge [sflag:s16], $0x1C00  }
0xc4: {  	[sflag:s16] =	ssyncset.done $0x0  }
0xc5: {  	[sflag:s16] =	ssyncadd.s32 $0xFFFFE400  }
0xc6: {  	_ =	swait.ge [sflag:s16], $0x1C00  }
0xc7: {  	[sflag:s16] =	ssyncset.done $0x0  }
0xc8: {  	[sflag:s16] =	ssyncadd.s32 $0xFFFFE400  }
0xc9: {  	_ =	swait.ge [sflag:s16], $0x1C00  }
0xca: {  	s28 =	simm.s32 $0x1;
	s29 =	smov.u32 s11;
	[sflag:s16] =	ssyncset.done $0x0  }
0xcb: {  	p1 =	por $0x1, $0x1;
	s22 =	sadd.s32 $0x5400, s11;
	[sflag:s16] =	ssyncadd.s32 $0xFFFFE400  }
0xcc: {  	s30 =	sadd.s32 $0x3, s0;
	s25 =	simm.s32 $0x700;
	_ =	swait.ge [sflag:s16], $0x1C00  }
0xcd: {  	s23 =	sand.u32 $0x1, s28;
	s26 =	simm.s32 $0xE00;
	[sflag:s16] =	ssyncset.done $0x0  }
.LBB2_4:
0xce: {  	s0 =	sadd.s32 @!p1 $0x3, s23  }
0xcf: {  	s4 =	smul.u32 $0x38000, s23;
	[sflag:s16] =	ssyncadd.s32 $0xFFFFE400;
	s5 =	smov.u32 s26  }
0xd0: {  	[hbm4b:s29+s17] =	stream.strided.scatter [tilespmem:s24], [sflag:s30], $0xE000, s18, s17, $0x38;
	[tilespmem:$0x1DC00] =	vst v63  }
0xd1: {  	s26 =	sadd.s32 $0x700, s26;
	_ =	swait.ge @!p1 [sflag:s0], $0xE000;
	s4 =	sshrl.u32 s4, $0x2  }
0xd2: {  	p0 =	sne.s32 s26, $0x7000;
	s29 =	smov.u32 s22;
	[sflag:s0] =	ssyncset.done @!p1 $0x0  }
0xd3: {  	s24 =	sor.u32 $0x1C00, s4;
	[sflag:s0] =	ssyncadd.s32 @!p1 $0xFFFF2000;
	s0 =	sshra.s32 s25, $0x2  }
0xd4: {  	[tilespmem:s24], [sflag:$0x2] =	stream.indirect.gather [hbm4b:s2+s13], $0x80, s0, s13, $0xb8;
	[tilespmem:$0x1DC00] =	vst v63  }
0xd5: {  	s30 =	sadd.s32 $0x3800, s4;
	s25 =	smov.u32 s5;
	s31 =	sadd.s32 $0x38, s0  }
0xd6: {  	[tilespmem:s30], [sflag:$0x2] =	stream.indirect.gather [hbm4b:s2+s13], $0x80, s31, s13, $0xb8;
	[tilespmem:$0x1DC00] =	vst v63  }
0xd7: {  	s5 =	sadd.s32 $0x5400, s4;
	s30 =	sadd.s32 $0x70, s0  }
0xd8: {  	[tilespmem:s5], [sflag:$0x2] =	stream.indirect.gather [hbm4b:s2+s13], $0x80, s30, s13, $0xb8;
	[tilespmem:$0x1DC00] =	vst v63  }
0xd9: {  	s5 =	sadd.s32 $0x7000, s4;
	s30 =	sadd.s32 $0xA8, s0  }
0xda: {  	[tilespmem:s5], [sflag:$0x2] =	stream.indirect.gather [hbm4b:s2+s13], $0x80, s30, s13, $0xb8;
	[tilespmem:$0x1DC00] =	vst v63  }
0xdb: {  	s5 =	sadd.s32 $0x8C00, s4;
	s30 =	sadd.s32 $0xE0, s0  }
0xdc: {  	[tilespmem:s5], [sflag:$0x2] =	stream.indirect.gather [hbm4b:s2+s13], $0x80, s30, s13, $0xb8;
	[tilespmem:$0x1DC00] =	vst v63  }
0xdd: {  	s5 =	sadd.s32 $0xA800, s4;
	s30 =	sadd.s32 $0x118, s0  }
0xde: {  	[tilespmem:s5], [sflag:$0x2] =	stream.indirect.gather [hbm4b:s2+s13], $0x80, s30, s13, $0xb8;
	[tilespmem:$0x1DC00] =	vst v63  }
0xdf: {  	s5 =	sadd.s32 $0xC400, s4;
	s30 =	sadd.s32 $0x150, s0  }
0xe0: {  	[tilespmem:s5], [sflag:$0x2] =	stream.indirect.gather [hbm4b:s2+s13], $0x80, s30, s13, $0xb8;
	[tilespmem:$0x1DC00] =	vst v63  }
0xe1: {  	s4 =	sadd.s32 $0xE000, s4;
	s0 =	sadd.s32 $0x188, s0  }
0xe2: {  	[tilespmem:s4], [sflag:$0x2] =	stream.indirect.gather [hbm4b:s2+s13], $0x80, s0, s13, $0xb8;
	[tilespmem:$0x1DC00] =	vst v63  }
0xe3: {  	_ =	swait.ge [sflag:s16], $0x1C00  }
0xe4: {  	[sflag:s16] =	ssyncset.done $0x0  }
0xe5: {  	[sflag:s16] =	ssyncadd.s32 $0xFFFFE400  }
0xe6: {  	_ =	swait.ge [sflag:s16], $0x1C00  }
0xe7: {  	[sflag:s16] =	ssyncset.done $0x0  }
0xe8: {  	[sflag:s16] =	ssyncadd.s32 $0xFFFFE400  }
0xe9: {  	_ =	swait.ge [sflag:s16], $0x1C00  }
0xea: {  	[sflag:s16] =	ssyncset.done $0x0  }
0xeb: {  	[sflag:s16] =	ssyncadd.s32 $0xFFFFE400  }
0xec: {  	_ =	swait.ge [sflag:s16], $0x1C00  }
0xed: {  	[sflag:s16] =	ssyncset.done $0x0  }
0xee: {  	[sflag:s16] =	ssyncadd.s32 $0xFFFFE400  }
0xef: {  	_ =	swait.ge [sflag:s16], $0x1C00  }
0xf0: {  	[sflag:s16] =	ssyncset.done $0x0  }
0xf1: {  	[sflag:s16] =	ssyncadd.s32 $0xFFFFE400  }
0xf2: {  	_ =	swait.ge [sflag:s16], $0x1C00  }
0xf3: {  	[sflag:s16] =	ssyncset.done $0x0  }
0xf4: {  	[sflag:s16] =	ssyncadd.s32 $0xFFFFE400  }
.Ltmp1:
0xf5: {  	_ =	swait.ge [sflag:s16], $0x1C00;
	(pc) =	sbr.rel @p0 .LBB2_4-.Ltmp1, $4  }
0xf6: {  	[sflag:s16] =	ssyncset.done $0x0  }
0xf7: {  	s22 =	sadd.s32 $0x5400, s22;
	[sflag:s16] =	ssyncadd.s32 $0xFFFFE400  }
0xf8: {  	s28 =	sadd.s32 $0x1, s28;
	s30 =	sadd.s32 $0x3, s23;
	_ =	swait.ge [sflag:s16], $0x1C00  }
0xf9: {  	p1 =	slt.u32 s28, $0x2;
	s23 =	sand.u32 $0x1, s28;
	[sflag:s16] =	ssyncset.done $0x0  }
0xfa: {  	s0 =	sadd.s32 @!p1 $0x3, s23;
	s4 =	smul.u32 $0x38000, s23;
	[sflag:s16] =	ssyncadd.s32 $0xFFFFE400  }
0xfb: {  	[hbm4b:s29+s17] =	stream.strided.scatter [tilespmem:s24], [sflag:s30], $0xE000, s18, s17, $0x38;
	[tilespmem:$0x1DC00] =	vst v63  }
0xfc: {  	_ =	swait.ge @!p1 [sflag:s0], $0xE000  }
0xfd: {  	s4 =	sshrl.u32 s4, $0x2;
	[sflag:s0] =	ssyncset.done @!p1 $0x0  }
0xfe: {  	s5 =	sshra.s32 s25, $0x2;
	[sflag:s0] =	ssyncadd.s32 @!p1 $0xFFFF2000;
	s0 =	sor.u32 $0x1C00, s4  }
0xff: {  	[tilespmem:s0], [sflag:$0x2] =	stream.indirect.gather [hbm4b:s2+s13], $0x80, s5, s13, $0xb8;
	[tilespmem:$0x1DC00] =	vst v63  }
0x100: {  	s25 =	sadd.s32 $0x38, s5;
	s31 =	sadd.s32 $0x3800, s4  }
0x101: {  	[tilespmem:s31], [sflag:$0x2] =	stream.indirect.gather [hbm4b:s2+s13], $0x80, s25, s13, $0xb8;
	[tilespmem:$0x1DC00] =	vst v63  }
0x102: {  	s26 =	sadd.s32 $0x5400, s4;
	s31 =	sadd.s32 $0x70, s5  }
0x103: {  	[tilespmem:s26], [sflag:$0x2] =	stream.indirect.gather [hbm4b:s2+s13], $0x80, s31, s13, $0xb8;
	[tilespmem:$0x1DC00] =	vst v63  }
0x104: {  	s26 =	sadd.s32 $0x7000, s4;
	s31 =	sadd.s32 $0xA8, s5  }
0x105: {  	[tilespmem:s26], [sflag:$0x2] =	stream.indirect.gather [hbm4b:s2+s13], $0x80, s31, s13, $0xb8;
	[tilespmem:$0x1DC00] =	vst v63  }
0x106: {  	s26 =	sadd.s32 $0x8C00, s4;
	s31 =	sadd.s32 $0xE0, s5  }
0x107: {  	[tilespmem:s26], [sflag:$0x2] =	stream.indirect.gather [hbm4b:s2+s13], $0x80, s31, s13, $0xb8;
	[tilespmem:$0x1DC00] =	vst v63  }
0x108: {  	s26 =	sadd.s32 $0xA800, s4;
	s31 =	sadd.s32 $0x118, s5  }
0x109: {  	[tilespmem:s26], [sflag:$0x2] =	stream.indirect.gather [hbm4b:s2+s13], $0x80, s31, s13, $0xb8;
	[tilespmem:$0x1DC00] =	vst v63  }
0x10a: {  	s26 =	sadd.s32 $0xC400, s4;
	s31 =	sadd.s32 $0x150, s5  }
0x10b: {  	[tilespmem:s26], [sflag:$0x2] =	stream.indirect.gather [hbm4b:s2+s13], $0x80, s31, s13, $0xb8;
	[tilespmem:$0x1DC00] =	vst v63  }
0x10c: {  	s4 =	sadd.s32 $0xE000, s4;
	s5 =	sadd.s32 $0x188, s5  }
0x10d: {  	[tilespmem:s4], [sflag:$0x2] =	stream.indirect.gather [hbm4b:s2+s13], $0x80, s5, s13, $0xb8;
	[tilespmem:$0x1DC00] =	vst v63  }
0x10e: {  	_ =	swait.ge [sflag:s16], $0x1C00  }
0x10f: {  	[sflag:s16] =	ssyncset.done $0x0  }
0x110: {  	[sflag:s16] =	ssyncadd.s32 $0xFFFFE400  }
0x111: {  	_ =	swait.ge [sflag:s16], $0x1C00  }
0x112: {  	[sflag:s16] =	ssyncset.done $0x0  }
0x113: {  	[sflag:s16] =	ssyncadd.s32 $0xFFFFE400  }
0x114: {  	_ =	swait.ge [sflag:s16], $0x1C00  }
0x115: {  	[sflag:s16] =	ssyncset.done $0x0  }
0x116: {  	[sflag:s16] =	ssyncadd.s32 $0xFFFFE400  }
0x117: {  	_ =	swait.ge [sflag:s16], $0x1C00  }
0x118: {  	[sflag:s16] =	ssyncset.done $0x0  }
0x119: {  	[sflag:s16] =	ssyncadd.s32 $0xFFFFE400  }
0x11a: {  	_ =	swait.ge [sflag:s16], $0x1C00  }
0x11b: {  	[sflag:s16] =	ssyncset.done $0x0  }
0x11c: {  	[sflag:s16] =	ssyncadd.s32 $0xFFFFE400  }
0x11d: {  	_ =	swait.ge [sflag:s16], $0x1C00  }
0x11e: {  	[sflag:s16] =	ssyncset.done $0x0  }
0x11f: {  	[sflag:s16] =	ssyncadd.s32 $0xFFFFE400  }
0x120: {  	_ =	swait.ge [sflag:s16], $0x1C00  }
0x121: {  	[sflag:s16] =	ssyncset.done $0x0  }
0x122: {  	[sflag:s16] =	ssyncadd.s32 $0xFFFFE400  }
0x123: {  	_ =	swait.ge [sflag:s16], $0x1C00  }
0x124: {  	[sflag:s16] =	ssyncset.done $0x0  }
0x125: {  	s5 =	sadd.s32 $0x3, s23;
	[sflag:s16] =	ssyncadd.s32 $0xFFFFE400  }
0x126: {  	[hbm4b:s22+s17] =	stream.strided.scatter [tilespmem:s0], [sflag:s5], $0xE000, s18, s17, $0x38;
	[tilespmem:$0x1DC00] =	vst v63  }
0x127: {  	_ =	swait.ge [sflag:s19], $0xE000  }
0x128: {  	[sflag:s19] =	ssyncset.done $0x0  }
0x129: {  	[sflag:s19] =	ssyncadd.s32 $0xFFFF2000  }
0x12a: {  	_ =	swait.ge [sflag:s20], $0xE000  }
0x12b: {  	[sflag:s20] =	ssyncset.done $0x0  }
0x12c: {  	s23 =	simm.s32 $0x0;
	[sflag:s20] =	ssyncadd.s32 $0xFFFF2000  }
0x12d: {  	[tilespmem:s23], [sflag:$0x1] =	stream.strided.gather [hbm4b:s8+s13], $0x1C00, s14, s13, $0x38;
	[tilespmem:$0x1DC00] =	vst v63  }
0x12e: {  	_ =	swait.ge [sflag:s15], $0x1C00  }
0x12f: {  	p0 =	por $0x1, $0x1;
	s0 =	sand.u32 $0x1, s23;
	[sflag:s15] =	ssyncset.done $0x0  }
0x130: {  	s4 =	sadd.s32 @!p0 $0x3, s0;
	s24 =	smul.u32 $0x38000, s0;
	[sflag:s15] =	ssyncadd.s32 $0xFFFFE400  }
0x131: {  	_ =	swait.ge @!p0 [sflag:s4], $0xE000  }
0x132: {  	s5 =	sshrl.u32 s24, $0x2;
	[sflag:s4] =	ssyncset.done @!p0 $0x0  }
0x133: {  	s25 =	simm.s32 $0x0;
	s24 =	sor.u32 $0x1C00, s5;
	[sflag:s4] =	ssyncadd.s32 @!p0 $0xFFFF2000  }
0x134: {  	[tilespmem:s24], [sflag:$0x2] =	stream.indirect.gather [hbm4b:s3+s13], $0x80, s25, s13, $0xb8;
	[tilespmem:$0x1DC00] =	vst v63  }
0x135: {  	s31 =	simm.s32 $0x38;
	s26 =	sadd.s32 $0x3800, s5  }
0x136: {  	[tilespmem:s26], [sflag:$0x2] =	stream.indirect.gather [hbm4b:s3+s13], $0x80, s31, s13, $0xb8;
	[tilespmem:$0x1DC00] =	vst v63  }
0x137: {  	s23 =	sadd.s32 $0x5400, s5;
	s25 =	simm.s32 $0x70  }
0x138: {  	[tilespmem:s23], [sflag:$0x2] =	stream.indirect.gather [hbm4b:s3+s13], $0x80, s25, s13, $0xb8;
	[tilespmem:$0x1DC00] =	vst v63  }
0x139: {  	s26 =	sadd.s32 $0x7000, s5;
	s31 =	simm.s32 $0xA8  }
0x13a: {  	[tilespmem:s26], [sflag:$0x2] =	stream.indirect.gather [hbm4b:s3+s13], $0x80, s31, s13, $0xb8;
	[tilespmem:$0x1DC00] =	vst v63  }
0x13b: {  	s23 =	sadd.s32 $0x8C00, s5;
	s25 =	simm.s32 $0xE0  }
0x13c: {  	[tilespmem:s23], [sflag:$0x2] =	stream.indirect.gather [hbm4b:s3+s13], $0x80, s25, s13, $0xb8;
	[tilespmem:$0x1DC00] =	vst v63  }
0x13d: {  	s26 =	sadd.s32 $0xA800, s5;
	s31 =	simm.s32 $0x118  }
0x13e: {  	[tilespmem:s26], [sflag:$0x2] =	stream.indirect.gather [hbm4b:s3+s13], $0x80, s31, s13, $0xb8;
	[tilespmem:$0x1DC00] =	vst v63  }
0x13f: {  	s23 =	sadd.s32 $0xC400, s5;
	s25 =	simm.s32 $0x150  }
0x140: {  	[tilespmem:s23], [sflag:$0x2] =	stream.indirect.gather [hbm4b:s3+s13], $0x80, s25, s13, $0xb8;
	[tilespmem:$0x1DC00] =	vst v63  }
0x141: {  	s26 =	sadd.s32 $0xE000, s5;
	s31 =	simm.s32 $0x188  }
0x142: {  	[tilespmem:s26], [sflag:$0x2] =	stream.indirect.gather [hbm4b:s3+s13], $0x80, s31, s13, $0xb8;
	[tilespmem:$0x1DC00] =	vst v63  }
0x143: {  	_ =	swait.ge [sflag:s16], $0x1C00  }
0x144: {  	[sflag:s16] =	ssyncset.done $0x0  }
0x145: {  	[sflag:s16] =	ssyncadd.s32 $0xFFFFE400  }
0x146: {  	_ =	swait.ge [sflag:s16], $0x1C00  }
0x147: {  	[sflag:s16] =	ssyncset.done $0x0  }
0x148: {  	[sflag:s16] =	ssyncadd.s32 $0xFFFFE400  }
0x149: {  	_ =	swait.ge [sflag:s16], $0x1C00  }
0x14a: {  	[sflag:s16] =	ssyncset.done $0x0  }
0x14b: {  	[sflag:s16] =	ssyncadd.s32 $0xFFFFE400  }
0x14c: {  	_ =	swait.ge [sflag:s16], $0x1C00  }
0x14d: {  	[sflag:s16] =	ssyncset.done $0x0  }
0x14e: {  	[sflag:s16] =	ssyncadd.s32 $0xFFFFE400  }
0x14f: {  	_ =	swait.ge [sflag:s16], $0x1C00  }
0x150: {  	[sflag:s16] =	ssyncset.done $0x0  }
0x151: {  	[sflag:s16] =	ssyncadd.s32 $0xFFFFE400  }
0x152: {  	_ =	swait.ge [sflag:s16], $0x1C00  }
0x153: {  	[sflag:s16] =	ssyncset.done $0x0  }
0x154: {  	[sflag:s16] =	ssyncadd.s32 $0xFFFFE400  }
0x155: {  	_ =	swait.ge [sflag:s16], $0x1C00  }
0x156: {  	s28 =	simm.s32 $0x1;
	s29 =	smov.u32 s12;
	[sflag:s16] =	ssyncset.done $0x0  }
0x157: {  	p1 =	por $0x1, $0x1;
	s22 =	sadd.s32 $0x5400, s12;
	[sflag:s16] =	ssyncadd.s32 $0xFFFFE400  }
0x158: {  	s30 =	sadd.s32 $0x3, s0;
	s25 =	simm.s32 $0x700;
	_ =	swait.ge [sflag:s16], $0x1C00  }
0x159: {  	s23 =	sand.u32 $0x1, s28;
	s26 =	simm.s32 $0xE00;
	[sflag:s16] =	ssyncset.done $0x0  }
.LBB2_6:
0x15a: {  	s0 =	sadd.s32 @!p1 $0x3, s23  }
0x15b: {  	s4 =	smul.u32 $0x38000, s23;
	[sflag:s16] =	ssyncadd.s32 $0xFFFFE400;
	s5 =	smov.u32 s26  }
0x15c: {  	[hbm4b:s29+s17] =	stream.strided.scatter [tilespmem:s24], [sflag:s30], $0xE000, s18, s17, $0x38;
	[tilespmem:$0x1DC00] =	vst v63  }
0x15d: {  	s26 =	sadd.s32 $0x700, s26;
	_ =	swait.ge @!p1 [sflag:s0], $0xE000;
	s4 =	sshrl.u32 s4, $0x2  }
0x15e: {  	p0 =	sne.s32 s26, $0x7000;
	s29 =	smov.u32 s22;
	[sflag:s0] =	ssyncset.done @!p1 $0x0  }
0x15f: {  	s24 =	sor.u32 $0x1C00, s4;
	[sflag:s0] =	ssyncadd.s32 @!p1 $0xFFFF2000;
	s0 =	sshra.s32 s25, $0x2  }
0x160: {  	[tilespmem:s24], [sflag:$0x2] =	stream.indirect.gather [hbm4b:s3+s13], $0x80, s0, s13, $0xb8;
	[tilespmem:$0x1DC00] =	vst v63  }
0x161: {  	s30 =	sadd.s32 $0x3800, s4;
	s25 =	smov.u32 s5;
	s31 =	sadd.s32 $0x38, s0  }
0x162: {  	[tilespmem:s30], [sflag:$0x2] =	stream.indirect.gather [hbm4b:s3+s13], $0x80, s31, s13, $0xb8;
	[tilespmem:$0x1DC00] =	vst v63  }
0x163: {  	s5 =	sadd.s32 $0x5400, s4;
	s30 =	sadd.s32 $0x70, s0  }
0x164: {  	[tilespmem:s5], [sflag:$0x2] =	stream.indirect.gather [hbm4b:s3+s13], $0x80, s30, s13, $0xb8;
	[tilespmem:$0x1DC00] =	vst v63  }
0x165: {  	s5 =	sadd.s32 $0x7000, s4;
	s30 =	sadd.s32 $0xA8, s0  }
0x166: {  	[tilespmem:s5], [sflag:$0x2] =	stream.indirect.gather [hbm4b:s3+s13], $0x80, s30, s13, $0xb8;
	[tilespmem:$0x1DC00] =	vst v63  }
0x167: {  	s5 =	sadd.s32 $0x8C00, s4;
	s30 =	sadd.s32 $0xE0, s0  }
0x168: {  	[tilespmem:s5], [sflag:$0x2] =	stream.indirect.gather [hbm4b:s3+s13], $0x80, s30, s13, $0xb8;
	[tilespmem:$0x1DC00] =	vst v63  }
0x169: {  	s5 =	sadd.s32 $0xA800, s4;
	s30 =	sadd.s32 $0x118, s0  }
0x16a: {  	[tilespmem:s5], [sflag:$0x2] =	stream.indirect.gather [hbm4b:s3+s13], $0x80, s30, s13, $0xb8;
	[tilespmem:$0x1DC00] =	vst v63  }
0x16b: {  	s5 =	sadd.s32 $0xC400, s4;
	s30 =	sadd.s32 $0x150, s0  }
0x16c: {  	[tilespmem:s5], [sflag:$0x2] =	stream.indirect.gather [hbm4b:s3+s13], $0x80, s30, s13, $0xb8;
	[tilespmem:$0x1DC00] =	vst v63  }
0x16d: {  	s4 =	sadd.s32 $0xE000, s4;
	s0 =	sadd.s32 $0x188, s0  }
0x16e: {  	[tilespmem:s4], [sflag:$0x2] =	stream.indirect.gather [hbm4b:s3+s13], $0x80, s0, s13, $0xb8;
	[tilespmem:$0x1DC00] =	vst v63  }
0x16f: {  	_ =	swait.ge [sflag:s16], $0x1C00  }
0x170: {  	[sflag:s16] =	ssyncset.done $0x0  }
0x171: {  	[sflag:s16] =	ssyncadd.s32 $0xFFFFE400  }
0x172: {  	_ =	swait.ge [sflag:s16], $0x1C00  }
0x173: {  	[sflag:s16] =	ssyncset.done $0x0  }
0x174: {  	[sflag:s16] =	ssyncadd.s32 $0xFFFFE400  }
0x175: {  	_ =	swait.ge [sflag:s16], $0x1C00  }
0x176: {  	[sflag:s16] =	ssyncset.done $0x0  }
0x177: {  	[sflag:s16] =	ssyncadd.s32 $0xFFFFE400  }
0x178: {  	_ =	swait.ge [sflag:s16], $0x1C00  }
0x179: {  	[sflag:s16] =	ssyncset.done $0x0  }
0x17a: {  	[sflag:s16] =	ssyncadd.s32 $0xFFFFE400  }
0x17b: {  	_ =	swait.ge [sflag:s16], $0x1C00  }
0x17c: {  	[sflag:s16] =	ssyncset.done $0x0  }
0x17d: {  	[sflag:s16] =	ssyncadd.s32 $0xFFFFE400  }
0x17e: {  	_ =	swait.ge [sflag:s16], $0x1C00  }
0x17f: {  	[sflag:s16] =	ssyncset.done $0x0  }
0x180: {  	[sflag:s16] =	ssyncadd.s32 $0xFFFFE400  }
.Ltmp2:
0x181: {  	_ =	swait.ge [sflag:s16], $0x1C00;
	(pc) =	sbr.rel @p0 .LBB2_6-.Ltmp2, $4  }
0x182: {  	[sflag:s16] =	ssyncset.done $0x0  }
0x183: {  	s22 =	sadd.s32 $0x5400, s22;
	[sflag:s16] =	ssyncadd.s32 $0xFFFFE400  }
0x184: {  	s28 =	sadd.s32 $0x1, s28;
	s30 =	sadd.s32 $0x3, s23;
	_ =	swait.ge [sflag:s16], $0x1C00  }
0x185: {  	p1 =	slt.u32 s28, $0x2;
	s23 =	sand.u32 $0x1, s28;
	[sflag:s16] =	ssyncset.done $0x0  }
0x186: {  	s0 =	sadd.s32 @!p1 $0x3, s23;
	s4 =	smul.u32 $0x38000, s23;
	[sflag:s16] =	ssyncadd.s32 $0xFFFFE400  }
0x187: {  	[hbm4b:s29+s17] =	stream.strided.scatter [tilespmem:s24], [sflag:s30], $0xE000, s18, s17, $0x38;
	[tilespmem:$0x1DC00] =	vst v63  }
0x188: {  	_ =	swait.ge @!p1 [sflag:s0], $0xE000  }
0x189: {  	s4 =	sshrl.u32 s4, $0x2;
	[sflag:s0] =	ssyncset.done @!p1 $0x0  }
0x18a: {  	s5 =	sshra.s32 s25, $0x2;
	[sflag:s0] =	ssyncadd.s32 @!p1 $0xFFFF2000;
	s0 =	sor.u32 $0x1C00, s4  }
0x18b: {  	[tilespmem:s0], [sflag:$0x2] =	stream.indirect.gather [hbm4b:s3+s13], $0x80, s5, s13, $0xb8;
	[tilespmem:$0x1DC00] =	vst v63  }
0x18c: {  	s25 =	sadd.s32 $0x38, s5;
	s31 =	sadd.s32 $0x3800, s4  }
0x18d: {  	[tilespmem:s31], [sflag:$0x2] =	stream.indirect.gather [hbm4b:s3+s13], $0x80, s25, s13, $0xb8;
	[tilespmem:$0x1DC00] =	vst v63  }
0x18e: {  	s26 =	sadd.s32 $0x70, s5;
	s25 =	sadd.s32 $0x5400, s4  }
0x18f: {  	[tilespmem:s25], [sflag:$0x2] =	stream.indirect.gather [hbm4b:s3+s13], $0x80, s26, s13, $0xb8;
	[tilespmem:$0x1DC00] =	vst v63  }
0x190: {  	s29 =	sadd.s32 $0xA8, s5;
	s28 =	sadd.s32 $0x7000, s4  }
0x191: {  	[tilespmem:s28], [sflag:$0x2] =	stream.indirect.gather [hbm4b:s3+s13], $0x80, s29, s13, $0xb8;
	[tilespmem:$0x1DC00] =	vst v63  }
0x192: {  	s30 =	sadd.s32 $0x8C00, s4;
	s31 =	sadd.s32 $0xE0, s5  }
0x193: {  	[tilespmem:s30], [sflag:$0x2] =	stream.indirect.gather [hbm4b:s3+s13], $0x80, s31, s13, $0xb8;
	[tilespmem:$0x1DC00] =	vst v63  }
0x194: {  	s26 =	sadd.s32 $0xA800, s4;
	s28 =	sadd.s32 $0x118, s5  }
0x195: {  	[tilespmem:s26], [sflag:$0x2] =	stream.indirect.gather [hbm4b:s3+s13], $0x80, s28, s13, $0xb8;
	[tilespmem:$0x1DC00] =	vst v63  }
0x196: {  	s29 =	sadd.s32 $0xC400, s4;
	s30 =	sadd.s32 $0x150, s5  }
0x197: {  	[tilespmem:s29], [sflag:$0x2] =	stream.indirect.gather [hbm4b:s3+s13], $0x80, s30, s13, $0xb8;
	[tilespmem:$0x1DC00] =	vst v63  }
0x198: {  	s4 =	sadd.s32 $0xE000, s4;
	s5 =	sadd.s32 $0x188, s5  }
0x199: {  	[tilespmem:s4], [sflag:$0x2] =	stream.indirect.gather [hbm4b:s3+s13], $0x80, s5, s13, $0xb8;
	[tilespmem:$0x1DC00] =	vst v63  }
0x19a: {  	_ =	swait.ge [sflag:s16], $0x1C00  }
0x19b: {  	[sflag:s16] =	ssyncset.done $0x0  }
0x19c: {  	[sflag:s16] =	ssyncadd.s32 $0xFFFFE400  }
0x19d: {  	_ =	swait.ge [sflag:s16], $0x1C00  }
0x19e: {  	[sflag:s16] =	ssyncset.done $0x0  }
0x19f: {  	[sflag:s16] =	ssyncadd.s32 $0xFFFFE400  }
0x1a0: {  	_ =	swait.ge [sflag:s16], $0x1C00  }
0x1a1: {  	[sflag:s16] =	ssyncset.done $0x0  }
0x1a2: {  	[sflag:s16] =	ssyncadd.s32 $0xFFFFE400  }
0x1a3: {  	_ =	swait.ge [sflag:s16], $0x1C00  }
0x1a4: {  	[sflag:s16] =	ssyncset.done $0x0  }
0x1a5: {  	[sflag:s16] =	ssyncadd.s32 $0xFFFFE400  }
0x1a6: {  	_ =	swait.ge [sflag:s16], $0x1C00  }
0x1a7: {  	[sflag:s16] =	ssyncset.done $0x0  }
0x1a8: {  	[sflag:s16] =	ssyncadd.s32 $0xFFFFE400  }
0x1a9: {  	_ =	swait.ge [sflag:s16], $0x1C00  }
0x1aa: {  	[sflag:s16] =	ssyncset.done $0x0  }
0x1ab: {  	[sflag:s16] =	ssyncadd.s32 $0xFFFFE400  }
0x1ac: {  	_ =	swait.ge [sflag:s16], $0x1C00  }
0x1ad: {  	[sflag:s16] =	ssyncset.done $0x0  }
0x1ae: {  	[sflag:s16] =	ssyncadd.s32 $0xFFFFE400  }
0x1af: {  	_ =	swait.ge [sflag:s16], $0x1C00  }
0x1b0: {  	[sflag:s16] =	ssyncset.done $0x0  }
0x1b1: {  	s21 =	sadd.s32 $0x1, s21;
	s31 =	sadd.s32 $0x3, s23;
	[sflag:s16] =	ssyncadd.s32 $0xFFFFE400  }
0x1b2: {  	[hbm4b:s22+s17] =	stream.strided.scatter [tilespmem:s0], [sflag:s31], $0xE000, s18, s17, $0x38;
	[tilespmem:$0x1DC00] =	vst v63  }
0x1b3: {  	p0 =	sne.s32 s21, s10;
	_ =	swait.ge [sflag:s19], $0xE000  }
.Ltmp3:
0x1b4: {  	[sflag:s19] =	ssyncset.done $0x0;
	(pc) =	sbr.rel @p0 .LBB2_1-.Ltmp3, $4  }
0x1b5: {  	[sflag:s19] =	ssyncadd.s32 $0xFFFF2000  }
0x1b6: {  	_ =	swait.ge [sflag:s20], $0xE000  }
0x1b7: {  	[sflag:s20] =	ssyncset.done $0x0  }
0x1b8: {  	[sflag:s20] =	ssyncadd.s32 $0xFFFF2000  }
0x1b9: {  	_ =	sfence.sel $0x180000  }
0x1ba: {  	[bflag:$0x0] =	sbarrier.arrive $0xFFFF  }
0x1bb: {  	_ =	strace $0x90000047  }
0x1bc: {  	s0 =	stileid.u32;
	[bflag:$0x2] =	sbarrier.arrive $0xFFFF  }
0x1bd: {  	p0 =	sne.s32 s0, $0x0;
	s0 =	rddreg [dreg:$0x7]  }
0x1be: {  	s0 =	sadd.s32 @!p0 $0x100000, s0  }
0x1bf: {  	[sflag:s0] =	ssyncadd.tile.s32 @!p0 $0x1;
	_ =	shalt  }
.Lfunc_end2:
_tile_overlayer_lowered:
.L_overlay_start_2:
0x1c0: {  	(tag) =	ssettag $0x2  }
0x1c1: {  	s0 =	rddreg [dreg:$0x0];
	s2 =	stileid.u32  }
0x1c2: {  	s1 =	rddreg [dreg:$0x1];
	p0 =	sne.s32 s2, $0x0  }
0x1c3: {  	s3 =	rddreg [dreg:$0x2];
	[bflag:$0x3] =	sbarrier.arrive $0xFFFF;
	s2 =	simm.s32 @!p0 $0x1C05  }
0x1c4: {  	[timem:s3], [sflag:s2] =	dma.local @!p0 [hbm:s0], s1  }
0x1c5: {  	s0 =	simm.s32 @!p0 $0x5  }
0x1c6: {  	_ =	swait.ge @!p0 [sflag:s0], s1  }
0x1c7: {  	s1 =	ssub.s32 @!p0 $0x0, s1;
	[sflag:s0] =	ssyncset.done @!p0 $0x0  }
0x1c8: {  	[sflag:s0] =	ssyncadd.s32 @!p0 s1  }
0x1c9: {  	[bflag:$0x3] =	sbarrier.arrive $0xFFFF  }
0x1ca: {  	_ =	shalt  }

</sc_bundles>
